<compile_context>
chip_gen: v7x
topology: tpu7x:2x2x1
jax: 0.10.2.dev20260603
libtpu: 0.0.44.dev20260713+nightly
codegen_flags: <defaults>
</compile_context>

<pallas_src>
import jax
import jax.numpy as jnp
from jax import lax
from jax.experimental import pallas as pl
from jax.experimental.pallas import tpu as pltpu
from jax.experimental.pallas import tpu_sc as plsc

N = 10000
D = 128
E = 320000
DW = 8
NT = 32
NSUB = 16
CH = 80
EPT = E // NT
KCH = EPT // CH
NPAD = N + 112
SLICE = NPAD // NSUB
BLK = 2000


def _prep_body(x_ref, wlin_ref, blin_ref, war_ref, wc_ref, scal_ref,
               h_ref, g_ref, u_ref, b_ref):
    x = x_ref[...]
    h = lax.dot_general(x, wlin_ref[...], (((1,), (1,)), ((), ())),
                        preferred_element_type=jnp.float32) + blin_ref[...]
    h_ref[...] = h
    ar = jnp.sum(h * war_ref[...], axis=1, keepdims=True) + scal_ref[0]
    u = jnp.exp(scal_ref[1] * ar)
    g_ref[...] = u * h
    u_ref[...] = jnp.broadcast_to(u, (BLK, DW))
    wd = wc_ref[0:1, :] - wc_ref[1:2, :]
    dlt = (jnp.sum(x * wd, axis=1, keepdims=True)
           + (scal_ref[2] - scal_ref[3]))
    b_ref[...] = jnp.broadcast_to(1.0 / (1.0 + jnp.exp(-dlt)), (BLK, D))


def _prep(x, W_lin, b_lin, W_attn_r, W_conv_pad, scal):
    return pl.pallas_call(
        _prep_body,
        grid=(N // BLK,),
        in_specs=[
            pl.BlockSpec((BLK, D), lambda i: (i, 0)),
            pl.BlockSpec((D, D), lambda i: (0, 0)),
            pl.BlockSpec((1, D), lambda i: (0, 0)),
            pl.BlockSpec((1, D), lambda i: (0, 0)),
            pl.BlockSpec((8, D), lambda i: (0, 0)),
            pl.BlockSpec(memory_space=pltpu.SMEM),
        ],
        out_specs=[
            pl.BlockSpec((BLK, D), lambda i: (i, 0)),
            pl.BlockSpec((BLK, D), lambda i: (i, 0)),
            pl.BlockSpec((BLK, DW), lambda i: (i, 0)),
            pl.BlockSpec((BLK, D), lambda i: (i, 0)),
        ],
        out_shape=[
            jax.ShapeDtypeStruct((N, D), jnp.float32),
            jax.ShapeDtypeStruct((N, D), jnp.float32),
            jax.ShapeDtypeStruct((N, DW), jnp.float32),
            jax.ShapeDtypeStruct((N, D), jnp.float32),
        ],
    )(x, W_lin, b_lin, W_attn_r, W_conv_pad, scal)


def _sc_body(g_hbm, u_hbm, edge_hbm, zeros_hbm, zerosd_hbm,
             out0_hbm, out1_hbm, den0_hbm, den1_hbm,
             src_v, dst_v, rows_v, drows_v, acc_sh, accd_sh,
             gs0, gs1, ss0, ss1):
    gsem = (gs0, gs1)
    ssem = (ss0, ss1)
    c = lax.axis_index("c")
    s = lax.axis_index("s")
    wid = c * NSUB + s
    e0 = wid * EPT

    row0 = pl.multiple_of(s * SLICE, 8)
    pltpu.sync_copy(zeros_hbm, acc_sh.at[pl.ds(row0, SLICE)])
    pltpu.sync_copy(zerosd_hbm, accd_sh.at[pl.ds(row0, SLICE)])

    pltpu.sync_copy(edge_hbm.at[pl.ds(E + e0, EPT)], src_v)
    pltpu.sync_copy(edge_hbm.at[pl.ds(e0, EPT)], dst_v)

    def g_pairs(k, b):
        sl = src_v.at[pl.ds(k * CH, CH)]
        return ((g_hbm.at[sl], rows_v.at[b], gsem[b]),
                (u_hbm.at[sl], drows_v.at[b], gsem[b]))

    def s_pairs(k, b):
        sl = dst_v.at[pl.ds(k * CH, CH)]
        return ((rows_v.at[b], acc_sh.at[sl], ssem[b]),
                (drows_v.at[b], accd_sh.at[sl], ssem[b]))

    def g_issue(k, b):
        for p in g_pairs(k, b):
            pltpu.async_copy(*p)

    def g_wait(k, b):
        for p in g_pairs(k, b):
            pltpu.make_async_copy(*p).wait()

    def s_issue(k, b):
        for p in s_pairs(k, b):
            pltpu.async_copy(*p, add=True)

    def s_wait(k, b):
        for p in s_pairs(k, b):
            pltpu.make_async_copy(*p).wait()

    g_issue(0, 0)
    g_wait(0, 0)
    s_issue(0, 0)
    g_issue(1, 1)

    def body(kk, carry):
        for j in range(2):
            k = 2 * kk + 1 + j
            cur = (1 + j) % 2
            oth = 1 - cur
            s_wait(k - 1, oth)
            g_issue(k + 1, oth)
            g_wait(k, cur)
            s_issue(k, cur)
        return carry

    lax.fori_loop(0, (KCH - 3) // 2, body, 0)

    s_wait(KCH - 3, 0)
    g_issue(KCH - 1, 0)
    g_wait(KCH - 2, 1)
    s_issue(KCH - 2, 1)
    s_wait(KCH - 2, 1)
    g_wait(KCH - 1, 0)
    s_issue(KCH - 1, 0)
    s_wait(KCH - 1, 0)

    plsc.subcore_barrier()

    @pl.when(c == 0)
    def _():
        pltpu.sync_copy(acc_sh.at[pl.ds(row0, SLICE)],
                        out0_hbm.at[pl.ds(row0, SLICE)])
        pltpu.sync_copy(accd_sh.at[pl.ds(row0, SLICE)],
                        den0_hbm.at[pl.ds(row0, SLICE), pl.ds(0, DW)])

    @pl.when(c == 1)
    def _():
        pltpu.sync_copy(acc_sh.at[pl.ds(row0, SLICE)],
                        out1_hbm.at[pl.ds(row0, SLICE)])
        pltpu.sync_copy(accd_sh.at[pl.ds(row0, SLICE)],
                        den1_hbm.at[pl.ds(row0, SLICE), pl.ds(0, DW)])


def _sc_aggregate(g, u16, edge_index, zeros, zerosd):
    mesh = plsc.VectorSubcoreMesh(core_axis_name="c", subcore_axis_name="s")
    kern = pl.kernel(
        _sc_body,
        out_type=[jax.ShapeDtypeStruct((NPAD, D), jnp.float32),
                  jax.ShapeDtypeStruct((NPAD, D), jnp.float32),
                  jax.ShapeDtypeStruct((NPAD, D), jnp.float32),
                  jax.ShapeDtypeStruct((NPAD, D), jnp.float32)],
        mesh=mesh,
        scratch_types=[
            pltpu.VMEM((EPT,), jnp.int32),
            pltpu.VMEM((EPT,), jnp.int32),
            pltpu.VMEM((2, CH, D), jnp.float32),
            pltpu.VMEM((2, CH, DW), jnp.float32),
            pltpu.VMEM_SHARED((NPAD, D), jnp.float32),
            pltpu.VMEM_SHARED((NPAD, DW), jnp.float32),
            *([pltpu.SemaphoreType.DMA] * 4),
        ],
        compiler_params=pltpu.CompilerParams(use_tc_tiling_on_sc=False),
    )
    return kern(g, u16, edge_index, zeros, zerosd)


def _combine_body(s0_ref, s1_ref, d0_ref, d1_ref, h_ref, b_ref, o_ref):
    den = d0_ref[:, 0:1] + d1_ref[:, 0:1]
    agg = (s0_ref[...] + s1_ref[...]) / jnp.maximum(den, 1e-16)
    beta0 = b_ref[:, 0:1]
    out = beta0 * agg + (1.0 - beta0) * h_ref[...]
    o_ref[...] = jnp.maximum(out, 0.0)


def _combine(S0, S1, D0, D1, h, bta):
    return pl.pallas_call(
        _combine_body,
        grid=(N // BLK,),
        in_specs=[
            pl.BlockSpec((BLK, D), lambda i: (i, 0)),
            pl.BlockSpec((BLK, D), lambda i: (i, 0)),
            pl.BlockSpec((BLK, D), lambda i: (i, 0)),
            pl.BlockSpec((BLK, D), lambda i: (i, 0)),
            pl.BlockSpec((BLK, D), lambda i: (i, 0)),
            pl.BlockSpec((BLK, D), lambda i: (i, 0)),
        ],
        out_specs=pl.BlockSpec((BLK, D), lambda i: (i, 0)),
        out_shape=jax.ShapeDtypeStruct((N, D), jnp.float32),
    )(S0, S1, D0, D1, h, bta)


def kernel(x, global_node_idx, edge_index, W_lin, b_lin, W_conv, b_conv,
           W_attn_l, b_attn_l, W_attn_r, b_attn_r, alpha_weights):
    scal = jnp.stack([b_attn_r.astype(jnp.float32).reshape(()),
                      alpha_weights.astype(jnp.float32).reshape(()),
                      b_conv[0], b_conv[1]])
    W_conv_pad = jnp.zeros((8, D), jnp.float32).at[:2].set(W_conv)
    h, g, u16, bta = _prep(x, W_lin, b_lin.reshape(1, D),
                           W_attn_r.reshape(1, D), W_conv_pad, scal)

    zeros = jnp.zeros((SLICE, D), jnp.float32)
    zerosd = jnp.zeros((SLICE, DW), jnp.float32)
    S0, S1, D0, D1 = _sc_aggregate(g, u16, edge_index.reshape(2 * E),
                                   zeros, zerosd)

    return _combine(S0, S1, D0, D1, h, bta)

# --- scband reference (transcript-rebuilt; emitter-appended) ---
"""Pipeline reference for scband-latte-5325759447087 (READ-ONLY COPY).

The authoritative reference and input builder live on the scoring server;
editing this copy changes nothing except your own understanding.
"""

import jax, jax.numpy as jnp
import numpy as np

N = 10000
E = 320000
D_FEAT = 128
D_EMB = 128
R = 2  # 1 metapath with head type 'A' + 1 self relation


def setup_inputs(seed: int = 0) -> dict:
    key = jax.random.key(seed)
    ks = jax.random.split(key, 12)
    x = jax.random.normal(ks[0], (N, D_FEAT), dtype=jnp.float32)
    global_node_idx = jnp.arange(N, dtype=jnp.int32)
    edge_index = jax.random.randint(ks[1], (2, E), 0, N, dtype=jnp.int32)
    # Learned parameters (glorot-ish scaling)
    W_lin = jax.random.normal(ks[2], (D_EMB, D_FEAT), dtype=jnp.float32) * (1.0 / np.sqrt(D_FEAT))
    b_lin = jnp.zeros((D_EMB,), dtype=jnp.float32)
    # Conv1d(in=D_FEAT, out=R, k=1) == linear [R, D_FEAT]
    W_conv = jax.random.normal(ks[3], (R, D_FEAT), dtype=jnp.float32) * (1.0 / np.sqrt(D_FEAT))
    b_conv = jnp.zeros((R,), dtype=jnp.float32)
    W_attn_l = jax.random.normal(ks[4], (D_EMB,), dtype=jnp.float32) * (1.0 / np.sqrt(D_EMB))
    b_attn_l = jnp.zeros((), dtype=jnp.float32)
    W_attn_r = jax.random.normal(ks[5], (D_EMB,), dtype=jnp.float32) * (1.0 / np.sqrt(D_EMB))
    b_attn_r = jnp.zeros((), dtype=jnp.float32)
    alpha_weights = jnp.ones((1,), dtype=jnp.float32)
    return {
        'x': x, 'global_node_idx': global_node_idx, 'edge_index': edge_index,
        'W_lin': W_lin, 'b_lin': b_lin, 'W_conv': W_conv, 'b_conv': b_conv,
        'W_attn_l': W_attn_l, 'b_attn_l': b_attn_l,
        'W_attn_r': W_attn_r, 'b_attn_r': b_attn_r,
        'alpha_weights': alpha_weights,
    }


def reference(x, global_node_idx, edge_index, W_lin, b_lin, W_conv, b_conv,
              W_attn_l, b_attn_l, W_attn_r, b_attn_r, alpha_weights):
    n = global_node_idx.shape[0]
    # get_h_dict: linear projection of node attributes (first layer)
    h = x @ W_lin.T + b_lin  # [N, D_EMB]
    # get_beta_weights: Conv1d(k=1) over raw features -> softmax over relations
    beta = jax.nn.softmax(x @ W_conv.T + b_conv, axis=1)  # [N, R]
    # get_alphas: per-metapath attention scalars
    alpha_l = h @ W_attn_l + b_attn_l  # [N] (head / i side)
    alpha_r = h @ W_attn_r + b_attn_r  # [N] (tail / j side)
    # propagate with flow='target_to_source', aggr='add':
    # i (aggregation index) = edge_index[0], j (message source) = edge_index[1]
    dst = edge_index[0]
    src = edge_index[1]
    e = alpha_weights[0] * (alpha_r[src] + alpha_l[dst])  # [E]
    # segment softmax over edges grouped by dst
    m = jax.ops.segment_max(e, dst, num_segments=n)
    m = jnp.where(jnp.isfinite(m), m, 0.0)
    ex = jnp.exp(e - m[dst])
    denom = jax.ops.segment_sum(ex, dst, num_segments=n)
    attn = ex / jnp.maximum(denom[dst], 1e-16)
    # message: x_j * alpha ; aggregate: scatter-add at dst (eval mode: no dropout)
    msg = h[src] * attn[:, None]  # [E, D_EMB]
    agg = jax.ops.segment_sum(msg, dst, num_segments=n)  # [N, D_EMB]
    # emb_relation_agg: [N, R, D] = [metapath agg, self h]
    emb_rel = jnp.stack([agg, h], axis=1)  # [N, 2, D_EMB]
    # emb_output = (emb_rel^T @ beta).squeeze(-1)
    out = jnp.einsum('nrd,nr->nd', emb_rel, beta)
    # embedding_activation: relu
    return jax.nn.relu(out)

if __name__ == "__main__":
    import jax
    _d = setup_inputs()
    print(jax.jit(kernel)(*tuple(_d.values())))

</pallas_src>

<mosaic_0001>
#map = affine_map<(d0, d1) -> (0, 0)>
#map1 = affine_map<(d0, d1) -> (0)>
module attributes {stable_mosaic.version = 14 : i64} {
  func.func @_sc_body(%arg0: i32, %arg1: i32, %arg2: memref<10000x128xf32, #tpu.memory_space<hbm>>, %arg3: memref<10000x8xf32, #tpu.memory_space<hbm>>, %arg4: memref<640000xi32, #tpu.memory_space<hbm>>, %arg5: memref<632x128xf32, #tpu.memory_space<hbm>>, %arg6: memref<632x8xf32, #tpu.memory_space<hbm>>, %arg7: memref<10112x128xf32, #tpu.memory_space<hbm>>, %arg8: memref<10112x128xf32, #tpu.memory_space<hbm>>, %arg9: memref<10112x128xf32, #tpu.memory_space<hbm>>, %arg10: memref<10112x128xf32, #tpu.memory_space<hbm>>, %arg11: memref<10000xi32, #tpu.memory_space<vmem>>, %arg12: memref<10000xi32, #tpu.memory_space<vmem>>, %arg13: memref<2x80x128xf32, #tpu.memory_space<vmem>>, %arg14: memref<2x80x8xf32, #tpu.memory_space<vmem>>, %arg15: memref<10112x128xf32, #tpu.memory_space<vmem_shared>>, %arg16: memref<10112x8xf32, #tpu.memory_space<vmem_shared>>, %arg17: memref<!tpu.dma_semaphore, #tpu.memory_space<semaphore_mem>>, %arg18: memref<!tpu.dma_semaphore, #tpu.memory_space<semaphore_mem>>, %arg19: memref<!tpu.dma_semaphore, #tpu.memory_space<semaphore_mem>>, %arg20: memref<!tpu.dma_semaphore, #tpu.memory_space<semaphore_mem>>) attributes {dimension_semantics = [#tpu.dimension_semantics<core_parallel>, #tpu.dimension_semantics<subcore_parallel>], iteration_bounds = array<i64: 2, 16>, scalar_prefetch = 0 : i64, scratch_operands = 10 : i64, tpu.core_type = #tpu.core_type<sc_vector_subcore>, window_params = [{transform_indices = #map}, {transform_indices = #map}, {transform_indices = #map1}, {transform_indices = #map}, {transform_indices = #map}, {transform_indices = #map}, {transform_indices = #map}, {transform_indices = #map}, {transform_indices = #map}]} {
    %mul3A = arith.constant 16 : i32
    %mul3A_0 = arith.muli %arg0, %mul3A : i32
    %add3A = arith.addi %mul3A_0, %arg1 : i32
    %mul3A_1 = arith.constant 10000 : i32
    %mul3A_2 = arith.muli %add3A, %mul3A_1 : i32
    %mul3A_3 = arith.constant 632 : i32
    %mul3A_4 = arith.muli %arg1, %mul3A_3 : i32
    %multiple_of3A = tpu.assume_multiple %mul3A_4, 8 : i32
    "tpu.region"() ({
      %run_scoped3A = tpu.sem_alloc : memref<!tpu.dma_semaphore, #tpu.memory_space<semaphore_mem>>
      %dma_start3A_257 = arith.constant 0 : i32
      %dma_start3A_258 = tpu.memref_slice %arg15[%multiple_of3A, %dma_start3A_257] : memref<10112x128xf32, #tpu.memory_space<vmem_shared>> -> memref<632x128xf32, #tpu.memory_space<vmem_shared>>
      tpu.enqueue_dma source(%arg5 : memref<632x128xf32, #tpu.memory_space<hbm>>) target(%dma_start3A_258 : memref<632x128xf32, #tpu.memory_space<vmem_shared>>) target_semaphore(%run_scoped3A : memref<!tpu.dma_semaphore, #tpu.memory_space<semaphore_mem>>)
      %dma_wait3A_259 = arith.constant 0 : i32
      %dma_wait3A_260 = tpu.memref_slice %arg15[%multiple_of3A, %dma_wait3A_259] : memref<10112x128xf32, #tpu.memory_space<vmem_shared>> -> memref<632x128xf32, #tpu.memory_space<vmem_shared>>
      tpu.wait_dma2 semaphore(%run_scoped3A : memref<!tpu.dma_semaphore, #tpu.memory_space<semaphore_mem>>) src(%arg5 : memref<632x128xf32, #tpu.memory_space<hbm>>) dst(%dma_wait3A_260 : memref<632x128xf32, #tpu.memory_space<vmem_shared>>)
      tpu.yield
    }) : () -> ()
    "tpu.region"() ({
      %run_scoped3A = tpu.sem_alloc : memref<!tpu.dma_semaphore, #tpu.memory_space<semaphore_mem>>
      %dma_start3A_257 = arith.constant 0 : i32
      %dma_start3A_258 = tpu.memref_slice %arg16[%multiple_of3A, %dma_start3A_257] : memref<10112x8xf32, #tpu.memory_space<vmem_shared>> -> memref<632x8xf32, #tpu.memory_space<vmem_shared>>
      tpu.enqueue_dma source(%arg6 : memref<632x8xf32, #tpu.memory_space<hbm>>) target(%dma_start3A_258 : memref<632x8xf32, #tpu.memory_space<vmem_shared>>) target_semaphore(%run_scoped3A : memref<!tpu.dma_semaphore, #tpu.memory_space<semaphore_mem>>)
      %dma_wait3A_259 = arith.constant 0 : i32
      %dma_wait3A_260 = tpu.memref_slice %arg16[%multiple_of3A, %dma_wait3A_259] : memref<10112x8xf32, #tpu.memory_space<vmem_shared>> -> memref<632x8xf32, #tpu.memory_space<vmem_shared>>
      tpu.wait_dma2 semaphore(%run_scoped3A : memref<!tpu.dma_semaphore, #tpu.memory_space<semaphore_mem>>) src(%arg6 : memref<632x8xf32, #tpu.memory_space<hbm>>) dst(%dma_wait3A_260 : memref<632x8xf32, #tpu.memory_space<vmem_shared>>)
      tpu.yield
    }) : () -> ()
    %add3A_5 = arith.constant 320000 : i32
    %add3A_6 = arith.addi %add3A_5, %mul3A_2 : i32
    "tpu.region"() ({
      %run_scoped3A = tpu.sem_alloc : memref<!tpu.dma_semaphore, #tpu.memory_space<semaphore_mem>>
      %dma_start3A_257 = tpu.memref_slice %arg4[%add3A_6] : memref<640000xi32, #tpu.memory_space<hbm>> -> memref<10000xi32, #tpu.memory_space<hbm>>
      %dma_start3A_258 = tpu.memref_slice %arg4[%add3A_6] : memref<640000xi32, #tpu.memory_space<hbm>> -> memref<10000xi32, #tpu.memory_space<hbm>>
      tpu.enqueue_dma source(%dma_start3A_258 : memref<10000xi32, #tpu.memory_space<hbm>>) target(%arg11 : memref<10000xi32, #tpu.memory_space<vmem>>) target_semaphore(%run_scoped3A : memref<!tpu.dma_semaphore, #tpu.memory_space<semaphore_mem>>)
      %dma_wait3A_259 = tpu.memref_slice %arg4[%add3A_6] : memref<640000xi32, #tpu.memory_space<hbm>> -> memref<10000xi32, #tpu.memory_space<hbm>>
      %dma_wait3A_260 = tpu.memref_slice %arg4[%add3A_6] : memref<640000xi32, #tpu.memory_space<hbm>> -> memref<10000xi32, #tpu.memory_space<hbm>>
      tpu.wait_dma2 semaphore(%run_scoped3A : memref<!tpu.dma_semaphore, #tpu.memory_space<semaphore_mem>>) src(%dma_wait3A_260 : memref<10000xi32, #tpu.memory_space<hbm>>) dst(%arg11 : memref<10000xi32, #tpu.memory_space<vmem>>)
      tpu.yield
    }) : () -> ()
    "tpu.region"() ({
      %run_scoped3A = tpu.sem_alloc : memref<!tpu.dma_semaphore, #tpu.memory_space<semaphore_mem>>
      %dma_start3A_257 = tpu.memref_slice %arg4[%mul3A_2] : memref<640000xi32, #tpu.memory_space<hbm>> -> memref<10000xi32, #tpu.memory_space<hbm>>
      %dma_start3A_258 = tpu.memref_slice %arg4[%mul3A_2] : memref<640000xi32, #tpu.memory_space<hbm>> -> memref<10000xi32, #tpu.memory_space<hbm>>
      tpu.enqueue_dma source(%dma_start3A_258 : memref<10000xi32, #tpu.memory_space<hbm>>) target(%arg12 : memref<10000xi32, #tpu.memory_space<vmem>>) target_semaphore(%run_scoped3A : memref<!tpu.dma_semaphore, #tpu.memory_space<semaphore_mem>>)
      %dma_wait3A_259 = tpu.memref_slice %arg4[%mul3A_2] : memref<640000xi32, #tpu.memory_space<hbm>> -> memref<10000xi32, #tpu.memory_space<hbm>>
      %dma_wait3A_260 = tpu.memref_slice %arg4[%mul3A_2] : memref<640000xi32, #tpu.memory_space<hbm>> -> memref<10000xi32, #tpu.memory_space<hbm>>
      tpu.wait_dma2 semaphore(%run_scoped3A : memref<!tpu.dma_semaphore, #tpu.memory_space<semaphore_mem>>) src(%dma_wait3A_260 : memref<10000xi32, #tpu.memory_space<hbm>>) dst(%arg12 : memref<10000xi32, #tpu.memory_space<vmem>>)
      tpu.yield
    }) : () -> ()
    %dma_start3A = arith.constant 0 : i32
    %dma_start3A_7 = arith.constant 0 : i32
    %dma_start3A_8 = arith.constant 0 : i32
    %dma_start3A_9 = tpu.memref_slice %arg13[%dma_start3A, %dma_start3A_7, %dma_start3A_8] : memref<2x80x128xf32, #tpu.memory_space<vmem>> -> memref<1x80x128xf32, #tpu.memory_space<vmem>>
    %dma_start3A_10 = tpu.memref_squeeze %dma_start3A_9 : memref<1x80x128xf32, #tpu.memory_space<vmem>> -> memref<80x128xf32, #tpu.memory_space<vmem>>
    %dma_start3A_11 = arith.constant 0 : i32
    %dma_start3A_12 = tpu.memref_slice %arg11[%dma_start3A_11] : memref<10000xi32, #tpu.memory_space<vmem>> -> memref<80xi32, #tpu.memory_space<vmem>>
    %dma_start3A_13 = arith.constant 0 : i32
    %dma_start3A_14 = arith.constant 0 : i32
    %dma_start3A_15 = tpu.memref_slice %arg2[%dma_start3A_13, %dma_start3A_14] : memref<10000x128xf32, #tpu.memory_space<hbm>> -> memref<10000x128xf32, #tpu.memory_space<hbm>>
    tpu.enqueue_indirect_dma source(%dma_start3A_15 : memref<10000x128xf32, #tpu.memory_space<hbm>>) target(%dma_start3A_10 : memref<80x128xf32, #tpu.memory_space<vmem>>) offsets(%dma_start3A_12 : memref<80xi32, #tpu.memory_space<vmem>>) semaphore(%arg17 : memref<!tpu.dma_semaphore, #tpu.memory_space<semaphore_mem>>)
    %dma_start3A_16 = arith.constant 0 : i32
    %dma_start3A_17 = arith.constant 0 : i32
    %dma_start3A_18 = arith.constant 0 : i32
    %dma_start3A_19 = tpu.memref_slice %arg14[%dma_start3A_16, %dma_start3A_17, %dma_start3A_18] : memref<2x80x8xf32, #tpu.memory_space<vmem>> -> memref<1x80x8xf32, #tpu.memory_space<vmem>>
    %dma_start3A_20 = tpu.memref_squeeze %dma_start3A_19 : memref<1x80x8xf32, #tpu.memory_space<vmem>> -> memref<80x8xf32, #tpu.memory_space<vmem>>
    %dma_start3A_21 = arith.constant 0 : i32
    %dma_start3A_22 = tpu.memref_slice %arg11[%dma_start3A_21] : memref<10000xi32, #tpu.memory_space<vmem>> -> memref<80xi32, #tpu.memory_space<vmem>>
    %dma_start3A_23 = arith.constant 0 : i32
    %dma_start3A_24 = arith.constant 0 : i32
    %dma_start3A_25 = tpu.memref_slice %arg3[%dma_start3A_23, %dma_start3A_24] : memref<10000x8xf32, #tpu.memory_space<hbm>> -> memref<10000x8xf32, #tpu.memory_space<hbm>>
    tpu.enqueue_indirect_dma source(%dma_start3A_25 : memref<10000x8xf32, #tpu.memory_space<hbm>>) target(%dma_start3A_20 : memref<80x8xf32, #tpu.memory_space<vmem>>) offsets(%dma_start3A_22 : memref<80xi32, #tpu.memory_space<vmem>>) semaphore(%arg17 : memref<!tpu.dma_semaphore, #tpu.memory_space<semaphore_mem>>)
    %dma_wait3A = arith.constant 0 : i32
    %dma_wait3A_26 = arith.constant 0 : i32
    %dma_wait3A_27 = arith.constant 0 : i32
    %dma_wait3A_28 = tpu.memref_slice %arg13[%dma_wait3A, %dma_wait3A_26, %dma_wait3A_27] : memref<2x80x128xf32, #tpu.memory_space<vmem>> -> memref<1x80x128xf32, #tpu.memory_space<vmem>>
    %dma_wait3A_29 = tpu.memref_squeeze %dma_wait3A_28 : memref<1x80x128xf32, #tpu.memory_space<vmem>> -> memref<80x128xf32, #tpu.memory_space<vmem>>
    %dma_wait3A_30 = arith.constant 0 : i32
    %dma_wait3A_31 = tpu.memref_slice %arg11[%dma_wait3A_30] : memref<10000xi32, #tpu.memory_space<vmem>> -> memref<80xi32, #tpu.memory_space<vmem>>
    %dma_wait3A_32 = arith.constant 0 : i32
    %dma_wait3A_33 = arith.constant 0 : i32
    %dma_wait3A_34 = tpu.memref_slice %arg2[%dma_wait3A_32, %dma_wait3A_33] : memref<10000x128xf32, #tpu.memory_space<hbm>> -> memref<10000x128xf32, #tpu.memory_space<hbm>>
    tpu.wait_indirect_dma semaphore(%arg17 : memref<!tpu.dma_semaphore, #tpu.memory_space<semaphore_mem>>) src(%dma_wait3A_34 : memref<10000x128xf32, #tpu.memory_space<hbm>>) dst(%dma_wait3A_29 : memref<80x128xf32, #tpu.memory_space<vmem>>)
    %dma_wait3A_35 = arith.constant 0 : i32
    %dma_wait3A_36 = arith.constant 0 : i32
    %dma_wait3A_37 = arith.constant 0 : i32
    %dma_wait3A_38 = tpu.memref_slice %arg14[%dma_wait3A_35, %dma_wait3A_36, %dma_wait3A_37] : memref<2x80x8xf32, #tpu.memory_space<vmem>> -> memref<1x80x8xf32, #tpu.memory_space<vmem>>
    %dma_wait3A_39 = tpu.memref_squeeze %dma_wait3A_38 : memref<1x80x8xf32, #tpu.memory_space<vmem>> -> memref<80x8xf32, #tpu.memory_space<vmem>>
    %dma_wait3A_40 = arith.constant 0 : i32
    %dma_wait3A_41 = tpu.memref_slice %arg11[%dma_wait3A_40] : memref<10000xi32, #tpu.memory_space<vmem>> -> memref<80xi32, #tpu.memory_space<vmem>>
    %dma_wait3A_42 = arith.constant 0 : i32
    %dma_wait3A_43 = arith.constant 0 : i32
    %dma_wait3A_44 = tpu.memref_slice %arg3[%dma_wait3A_42, %dma_wait3A_43] : memref<10000x8xf32, #tpu.memory_space<hbm>> -> memref<10000x8xf32, #tpu.memory_space<hbm>>
    tpu.wait_indirect_dma semaphore(%arg17 : memref<!tpu.dma_semaphore, #tpu.memory_space<semaphore_mem>>) src(%dma_wait3A_44 : memref<10000x8xf32, #tpu.memory_space<hbm>>) dst(%dma_wait3A_39 : memref<80x8xf32, #tpu.memory_space<vmem>>)
    %dma_start3A_45 = arith.constant 0 : i32
    %dma_start3A_46 = arith.constant 0 : i32
    %dma_start3A_47 = arith.constant 0 : i32
    %dma_start3A_48 = tpu.memref_slice %arg13[%dma_start3A_45, %dma_start3A_46, %dma_start3A_47] : memref<2x80x128xf32, #tpu.memory_space<vmem>> -> memref<1x80x128xf32, #tpu.memory_space<vmem>>
    %dma_start3A_49 = tpu.memref_squeeze %dma_start3A_48 : memref<1x80x128xf32, #tpu.memory_space<vmem>> -> memref<80x128xf32, #tpu.memory_space<vmem>>
    %dma_start3A_50 = arith.constant 0 : i32
    %dma_start3A_51 = tpu.memref_slice %arg12[%dma_start3A_50] : memref<10000xi32, #tpu.memory_space<vmem>> -> memref<80xi32, #tpu.memory_space<vmem>>
    %dma_start3A_52 = arith.constant 0 : i32
    %dma_start3A_53 = arith.constant 0 : i32
    %dma_start3A_54 = tpu.memref_slice %arg15[%dma_start3A_52, %dma_start3A_53] : memref<10112x128xf32, #tpu.memory_space<vmem_shared>> -> memref<10112x128xf32, #tpu.memory_space<vmem_shared>>
    tpu.enqueue_indirect_dma source(%dma_start3A_49 : memref<80x128xf32, #tpu.memory_space<vmem>>) target(%dma_start3A_54 : memref<10112x128xf32, #tpu.memory_space<vmem_shared>>) offsets(%dma_start3A_51 : memref<80xi32, #tpu.memory_space<vmem>>) semaphore(%arg19 : memref<!tpu.dma_semaphore, #tpu.memory_space<semaphore_mem>>) {add = true}
    %dma_start3A_55 = arith.constant 0 : i32
    %dma_start3A_56 = arith.constant 0 : i32
    %dma_start3A_57 = arith.constant 0 : i32
    %dma_start3A_58 = tpu.memref_slice %arg14[%dma_start3A_55, %dma_start3A_56, %dma_start3A_57] : memref<2x80x8xf32, #tpu.memory_space<vmem>> -> memref<1x80x8xf32, #tpu.memory_space<vmem>>
    %dma_start3A_59 = tpu.memref_squeeze %dma_start3A_58 : memref<1x80x8xf32, #tpu.memory_space<vmem>> -> memref<80x8xf32, #tpu.memory_space<vmem>>
    %dma_start3A_60 = arith.constant 0 : i32
    %dma_start3A_61 = tpu.memref_slice %arg12[%dma_start3A_60] : memref<10000xi32, #tpu.memory_space<vmem>> -> memref<80xi32, #tpu.memory_space<vmem>>
    %dma_start3A_62 = arith.constant 0 : i32
    %dma_start3A_63 = arith.constant 0 : i32
    %dma_start3A_64 = tpu.memref_slice %arg16[%dma_start3A_62, %dma_start3A_63] : memref<10112x8xf32, #tpu.memory_space<vmem_shared>> -> memref<10112x8xf32, #tpu.memory_space<vmem_shared>>
    tpu.enqueue_indirect_dma source(%dma_start3A_59 : memref<80x8xf32, #tpu.memory_space<vmem>>) target(%dma_start3A_64 : memref<10112x8xf32, #tpu.memory_space<vmem_shared>>) offsets(%dma_start3A_61 : memref<80xi32, #tpu.memory_space<vmem>>) semaphore(%arg19 : memref<!tpu.dma_semaphore, #tpu.memory_space<semaphore_mem>>) {add = true}
    %dma_start3A_65 = arith.constant 1 : i32
    %dma_start3A_66 = arith.constant 0 : i32
    %dma_start3A_67 = arith.constant 0 : i32
    %dma_start3A_68 = tpu.memref_slice %arg13[%dma_start3A_65, %dma_start3A_66, %dma_start3A_67] : memref<2x80x128xf32, #tpu.memory_space<vmem>> -> memref<1x80x128xf32, #tpu.memory_space<vmem>>
    %dma_start3A_69 = tpu.memref_squeeze %dma_start3A_68 : memref<1x80x128xf32, #tpu.memory_space<vmem>> -> memref<80x128xf32, #tpu.memory_space<vmem>>
    %dma_start3A_70 = arith.constant 80 : i32
    %dma_start3A_71 = tpu.memref_slice %arg11[%dma_start3A_70] : memref<10000xi32, #tpu.memory_space<vmem>> -> memref<80xi32, #tpu.memory_space<vmem>>
    %dma_start3A_72 = arith.constant 0 : i32
    %dma_start3A_73 = arith.constant 0 : i32
    %dma_start3A_74 = tpu.memref_slice %arg2[%dma_start3A_72, %dma_start3A_73] : memref<10000x128xf32, #tpu.memory_space<hbm>> -> memref<10000x128xf32, #tpu.memory_space<hbm>>
    tpu.enqueue_indirect_dma source(%dma_start3A_74 : memref<10000x128xf32, #tpu.memory_space<hbm>>) target(%dma_start3A_69 : memref<80x128xf32, #tpu.memory_space<vmem>>) offsets(%dma_start3A_71 : memref<80xi32, #tpu.memory_space<vmem>>) semaphore(%arg18 : memref<!tpu.dma_semaphore, #tpu.memory_space<semaphore_mem>>)
    %dma_start3A_75 = arith.constant 1 : i32
    %dma_start3A_76 = arith.constant 0 : i32
    %dma_start3A_77 = arith.constant 0 : i32
    %dma_start3A_78 = tpu.memref_slice %arg14[%dma_start3A_75, %dma_start3A_76, %dma_start3A_77] : memref<2x80x8xf32, #tpu.memory_space<vmem>> -> memref<1x80x8xf32, #tpu.memory_space<vmem>>
    %dma_start3A_79 = tpu.memref_squeeze %dma_start3A_78 : memref<1x80x8xf32, #tpu.memory_space<vmem>> -> memref<80x8xf32, #tpu.memory_space<vmem>>
    %dma_start3A_80 = arith.constant 80 : i32
    %dma_start3A_81 = tpu.memref_slice %arg11[%dma_start3A_80] : memref<10000xi32, #tpu.memory_space<vmem>> -> memref<80xi32, #tpu.memory_space<vmem>>
    %dma_start3A_82 = arith.constant 0 : i32
    %dma_start3A_83 = arith.constant 0 : i32
    %dma_start3A_84 = tpu.memref_slice %arg3[%dma_start3A_82, %dma_start3A_83] : memref<10000x8xf32, #tpu.memory_space<hbm>> -> memref<10000x8xf32, #tpu.memory_space<hbm>>
    tpu.enqueue_indirect_dma source(%dma_start3A_84 : memref<10000x8xf32, #tpu.memory_space<hbm>>) target(%dma_start3A_79 : memref<80x8xf32, #tpu.memory_space<vmem>>) offsets(%dma_start3A_81 : memref<80xi32, #tpu.memory_space<vmem>>) semaphore(%arg18 : memref<!tpu.dma_semaphore, #tpu.memory_space<semaphore_mem>>)
    %scan3A = arith.constant 0 : i32
    %scan3A_85 = arith.constant 0 : i32
    %scan3A_86 = arith.constant 61 : i32
    %scan3A_87 = arith.addi %scan3A_85, %scan3A_86 : i32
    %scan3A_88 = arith.constant 1 : i32
    scf.for %scan3A_257 = %scan3A_85 to %scan3A_87 step %scan3A_88  : i32 {
      %mul3A_258 = arith.constant 2 : i32
      %mul3A_259 = arith.muli %mul3A_258, %scan3A_257 : i32
      %add3A_260 = arith.constant 1 : i32
      %add3A_261 = arith.addi %mul3A_259, %add3A_260 : i32
      %add3A_262 = arith.constant 0 : i32
      %add3A_263 = arith.addi %add3A_261, %add3A_262 : i32
      %sub3A = arith.constant 1 : i32
      %sub3A_264 = arith.subi %add3A_263, %sub3A : i32
      %mul3A_265 = arith.constant 80 : i32
      %mul3A_266 = arith.muli %sub3A_264, %mul3A_265 : i32
      %dma_wait3A_267 = arith.constant 0 : i32
      %dma_wait3A_268 = arith.constant 0 : i32
      %dma_wait3A_269 = arith.constant 0 : i32
      %dma_wait3A_270 = tpu.memref_slice %arg13[%dma_wait3A_267, %dma_wait3A_268, %dma_wait3A_269] : memref<2x80x128xf32, #tpu.memory_space<vmem>> -> memref<1x80x128xf32, #tpu.memory_space<vmem>>
      %dma_wait3A_271 = tpu.memref_squeeze %dma_wait3A_270 : memref<1x80x128xf32, #tpu.memory_space<vmem>> -> memref<80x128xf32, #tpu.memory_space<vmem>>
      %dma_wait3A_272 = tpu.memref_slice %arg12[%mul3A_266] : memref<10000xi32, #tpu.memory_space<vmem>> -> memref<80xi32, #tpu.memory_space<vmem>>
      %dma_wait3A_273 = arith.constant 0 : i32
      %dma_wait3A_274 = arith.constant 0 : i32
      %dma_wait3A_275 = tpu.memref_slice %arg15[%dma_wait3A_273, %dma_wait3A_274] : memref<10112x128xf32, #tpu.memory_space<vmem_shared>> -> memref<10112x128xf32, #tpu.memory_space<vmem_shared>>
      tpu.wait_indirect_dma semaphore(%arg19 : memref<!tpu.dma_semaphore, #tpu.memory_space<semaphore_mem>>) src(%dma_wait3A_271 : memref<80x128xf32, #tpu.memory_space<vmem>>) dst(%dma_wait3A_275 : memref<10112x128xf32, #tpu.memory_space<vmem_shared>>)
      %dma_wait3A_276 = arith.constant 0 : i32
      %dma_wait3A_277 = arith.constant 0 : i32
      %dma_wait3A_278 = arith.constant 0 : i32
      %dma_wait3A_279 = tpu.memref_slice %arg14[%dma_wait3A_276, %dma_wait3A_277, %dma_wait3A_278] : memref<2x80x8xf32, #tpu.memory_space<vmem>> -> memref<1x80x8xf32, #tpu.memory_space<vmem>>
      %dma_wait3A_280 = tpu.memref_squeeze %dma_wait3A_279 : memref<1x80x8xf32, #tpu.memory_space<vmem>> -> memref<80x8xf32, #tpu.memory_space<vmem>>
      %dma_wait3A_281 = tpu.memref_slice %arg12[%mul3A_266] : memref<10000xi32, #tpu.memory_space<vmem>> -> memref<80xi32, #tpu.memory_space<vmem>>
      %dma_wait3A_282 = arith.constant 0 : i32
      %dma_wait3A_283 = arith.constant 0 : i32
      %dma_wait3A_284 = tpu.memref_slice %arg16[%dma_wait3A_282, %dma_wait3A_283] : memref<10112x8xf32, #tpu.memory_space<vmem_shared>> -> memref<10112x8xf32, #tpu.memory_space<vmem_shared>>
      tpu.wait_indirect_dma semaphore(%arg19 : memref<!tpu.dma_semaphore, #tpu.memory_space<semaphore_mem>>) src(%dma_wait3A_280 : memref<80x8xf32, #tpu.memory_space<vmem>>) dst(%dma_wait3A_284 : memref<10112x8xf32, #tpu.memory_space<vmem_shared>>)
      %add3A_285 = arith.constant 1 : i32
      %add3A_286 = arith.addi %add3A_263, %add3A_285 : i32
      %mul3A_287 = arith.constant 80 : i32
      %mul3A_288 = arith.muli %add3A_286, %mul3A_287 : i32
      %dma_start3A_289 = arith.constant 0 : i32
      %dma_start3A_290 = arith.constant 0 : i32
      %dma_start3A_291 = arith.constant 0 : i32
      %dma_start3A_292 = tpu.memref_slice %arg13[%dma_start3A_289, %dma_start3A_290, %dma_start3A_291] : memref<2x80x128xf32, #tpu.memory_space<vmem>> -> memref<1x80x128xf32, #tpu.memory_space<vmem>>
      %dma_start3A_293 = tpu.memref_squeeze %dma_start3A_292 : memref<1x80x128xf32, #tpu.memory_space<vmem>> -> memref<80x128xf32, #tpu.memory_space<vmem>>
      %dma_start3A_294 = tpu.memref_slice %arg11[%mul3A_288] : memref<10000xi32, #tpu.memory_space<vmem>> -> memref<80xi32, #tpu.memory_space<vmem>>
      %dma_start3A_295 = arith.constant 0 : i32
      %dma_start3A_296 = arith.constant 0 : i32
      %dma_start3A_297 = tpu.memref_slice %arg2[%dma_start3A_295, %dma_start3A_296] : memref<10000x128xf32, #tpu.memory_space<hbm>> -> memref<10000x128xf32, #tpu.memory_space<hbm>>
      tpu.enqueue_indirect_dma source(%dma_start3A_297 : memref<10000x128xf32, #tpu.memory_space<hbm>>) target(%dma_start3A_293 : memref<80x128xf32, #tpu.memory_space<vmem>>) offsets(%dma_start3A_294 : memref<80xi32, #tpu.memory_space<vmem>>) semaphore(%arg17 : memref<!tpu.dma_semaphore, #tpu.memory_space<semaphore_mem>>)
      %dma_start3A_298 = arith.constant 0 : i32
      %dma_start3A_299 = arith.constant 0 : i32
      %dma_start3A_300 = arith.constant 0 : i32
      %dma_start3A_301 = tpu.memref_slice %arg14[%dma_start3A_298, %dma_start3A_299, %dma_start3A_300] : memref<2x80x8xf32, #tpu.memory_space<vmem>> -> memref<1x80x8xf32, #tpu.memory_space<vmem>>
      %dma_start3A_302 = tpu.memref_squeeze %dma_start3A_301 : memref<1x80x8xf32, #tpu.memory_space<vmem>> -> memref<80x8xf32, #tpu.memory_space<vmem>>
      %dma_start3A_303 = tpu.memref_slice %arg11[%mul3A_288] : memref<10000xi32, #tpu.memory_space<vmem>> -> memref<80xi32, #tpu.memory_space<vmem>>
      %dma_start3A_304 = arith.constant 0 : i32
      %dma_start3A_305 = arith.constant 0 : i32
      %dma_start3A_306 = tpu.memref_slice %arg3[%dma_start3A_304, %dma_start3A_305] : memref<10000x8xf32, #tpu.memory_space<hbm>> -> memref<10000x8xf32, #tpu.memory_space<hbm>>
      tpu.enqueue_indirect_dma source(%dma_start3A_306 : memref<10000x8xf32, #tpu.memory_space<hbm>>) target(%dma_start3A_302 : memref<80x8xf32, #tpu.memory_space<vmem>>) offsets(%dma_start3A_303 : memref<80xi32, #tpu.memory_space<vmem>>) semaphore(%arg17 : memref<!tpu.dma_semaphore, #tpu.memory_space<semaphore_mem>>)
      %mul3A_307 = arith.constant 80 : i32
      %mul3A_308 = arith.muli %add3A_263, %mul3A_307 : i32
      %dma_wait3A_309 = arith.constant 1 : i32
      %dma_wait3A_310 = arith.constant 0 : i32
      %dma_wait3A_311 = arith.constant 0 : i32
      %dma_wait3A_312 = tpu.memref_slice %arg13[%dma_wait3A_309, %dma_wait3A_310, %dma_wait3A_311] : memref<2x80x128xf32, #tpu.memory_space<vmem>> -> memref<1x80x128xf32, #tpu.memory_space<vmem>>
      %dma_wait3A_313 = tpu.memref_squeeze %dma_wait3A_312 : memref<1x80x128xf32, #tpu.memory_space<vmem>> -> memref<80x128xf32, #tpu.memory_space<vmem>>
      %dma_wait3A_314 = tpu.memref_slice %arg11[%mul3A_308] : memref<10000xi32, #tpu.memory_space<vmem>> -> memref<80xi32, #tpu.memory_space<vmem>>
      %dma_wait3A_315 = arith.constant 0 : i32
      %dma_wait3A_316 = arith.constant 0 : i32
      %dma_wait3A_317 = tpu.memref_slice %arg2[%dma_wait3A_315, %dma_wait3A_316] : memref<10000x128xf32, #tpu.memory_space<hbm>> -> memref<10000x128xf32, #tpu.memory_space<hbm>>
      tpu.wait_indirect_dma semaphore(%arg18 : memref<!tpu.dma_semaphore, #tpu.memory_space<semaphore_mem>>) src(%dma_wait3A_317 : memref<10000x128xf32, #tpu.memory_space<hbm>>) dst(%dma_wait3A_313 : memref<80x128xf32, #tpu.memory_space<vmem>>)
      %dma_wait3A_318 = arith.constant 1 : i32
      %dma_wait3A_319 = arith.constant 0 : i32
      %dma_wait3A_320 = arith.constant 0 : i32
      %dma_wait3A_321 = tpu.memref_slice %arg14[%dma_wait3A_318, %dma_wait3A_319, %dma_wait3A_320] : memref<2x80x8xf32, #tpu.memory_space<vmem>> -> memref<1x80x8xf32, #tpu.memory_space<vmem>>
      %dma_wait3A_322 = tpu.memref_squeeze %dma_wait3A_321 : memref<1x80x8xf32, #tpu.memory_space<vmem>> -> memref<80x8xf32, #tpu.memory_space<vmem>>
      %dma_wait3A_323 = tpu.memref_slice %arg11[%mul3A_308] : memref<10000xi32, #tpu.memory_space<vmem>> -> memref<80xi32, #tpu.memory_space<vmem>>
      %dma_wait3A_324 = arith.constant 0 : i32
      %dma_wait3A_325 = arith.constant 0 : i32
      %dma_wait3A_326 = tpu.memref_slice %arg3[%dma_wait3A_324, %dma_wait3A_325] : memref<10000x8xf32, #tpu.memory_space<hbm>> -> memref<10000x8xf32, #tpu.memory_space<hbm>>
      tpu.wait_indirect_dma semaphore(%arg18 : memref<!tpu.dma_semaphore, #tpu.memory_space<semaphore_mem>>) src(%dma_wait3A_326 : memref<10000x8xf32, #tpu.memory_space<hbm>>) dst(%dma_wait3A_322 : memref<80x8xf32, #tpu.memory_space<vmem>>)
      %mul3A_327 = arith.constant 80 : i32
      %mul3A_328 = arith.muli %add3A_263, %mul3A_327 : i32
      %dma_start3A_329 = arith.constant 1 : i32
      %dma_start3A_330 = arith.constant 0 : i32
      %dma_start3A_331 = arith.constant 0 : i32
      %dma_start3A_332 = tpu.memref_slice %arg13[%dma_start3A_329, %dma_start3A_330, %dma_start3A_331] : memref<2x80x128xf32, #tpu.memory_space<vmem>> -> memref<1x80x128xf32, #tpu.memory_space<vmem>>
      %dma_start3A_333 = tpu.memref_squeeze %dma_start3A_332 : memref<1x80x128xf32, #tpu.memory_space<vmem>> -> memref<80x128xf32, #tpu.memory_space<vmem>>
      %dma_start3A_334 = tpu.memref_slice %arg12[%mul3A_328] : memref<10000xi32, #tpu.memory_space<vmem>> -> memref<80xi32, #tpu.memory_space<vmem>>
      %dma_start3A_335 = arith.constant 0 : i32
      %dma_start3A_336 = arith.constant 0 : i32
      %dma_start3A_337 = tpu.memref_slice %arg15[%dma_start3A_335, %dma_start3A_336] : memref<10112x128xf32, #tpu.memory_space<vmem_shared>> -> memref<10112x128xf32, #tpu.memory_space<vmem_shared>>
      tpu.enqueue_indirect_dma source(%dma_start3A_333 : memref<80x128xf32, #tpu.memory_space<vmem>>) target(%dma_start3A_337 : memref<10112x128xf32, #tpu.memory_space<vmem_shared>>) offsets(%dma_start3A_334 : memref<80xi32, #tpu.memory_space<vmem>>) semaphore(%arg20 : memref<!tpu.dma_semaphore, #tpu.memory_space<semaphore_mem>>) {add = true}
      %dma_start3A_338 = arith.constant 1 : i32
      %dma_start3A_339 = arith.constant 0 : i32
      %dma_start3A_340 = arith.constant 0 : i32
      %dma_start3A_341 = tpu.memref_slice %arg14[%dma_start3A_338, %dma_start3A_339, %dma_start3A_340] : memref<2x80x8xf32, #tpu.memory_space<vmem>> -> memref<1x80x8xf32, #tpu.memory_space<vmem>>
      %dma_start3A_342 = tpu.memref_squeeze %dma_start3A_341 : memref<1x80x8xf32, #tpu.memory_space<vmem>> -> memref<80x8xf32, #tpu.memory_space<vmem>>
      %dma_start3A_343 = tpu.memref_slice %arg12[%mul3A_328] : memref<10000xi32, #tpu.memory_space<vmem>> -> memref<80xi32, #tpu.memory_space<vmem>>
      %dma_start3A_344 = arith.constant 0 : i32
      %dma_start3A_345 = arith.constant 0 : i32
      %dma_start3A_346 = tpu.memref_slice %arg16[%dma_start3A_344, %dma_start3A_345] : memref<10112x8xf32, #tpu.memory_space<vmem_shared>> -> memref<10112x8xf32, #tpu.memory_space<vmem_shared>>
      tpu.enqueue_indirect_dma source(%dma_start3A_342 : memref<80x8xf32, #tpu.memory_space<vmem>>) target(%dma_start3A_346 : memref<10112x8xf32, #tpu.memory_space<vmem_shared>>) offsets(%dma_start3A_343 : memref<80xi32, #tpu.memory_space<vmem>>) semaphore(%arg20 : memref<!tpu.dma_semaphore, #tpu.memory_space<semaphore_mem>>) {add = true}
      %mul3A_347 = arith.constant 2 : i32
      %mul3A_348 = arith.muli %mul3A_347, %scan3A_257 : i32
      %add3A_349 = arith.constant 1 : i32
      %add3A_350 = arith.addi %mul3A_348, %add3A_349 : i32
      %add3A_351 = arith.constant 1 : i32
      %add3A_352 = arith.addi %add3A_350, %add3A_351 : i32
      %sub3A_353 = arith.constant 1 : i32
      %sub3A_354 = arith.subi %add3A_352, %sub3A_353 : i32
      %mul3A_355 = arith.constant 80 : i32
      %mul3A_356 = arith.muli %sub3A_354, %mul3A_355 : i32
      %dma_wait3A_357 = arith.constant 1 : i32
      %dma_wait3A_358 = arith.constant 0 : i32
      %dma_wait3A_359 = arith.constant 0 : i32
      %dma_wait3A_360 = tpu.memref_slice %arg13[%dma_wait3A_357, %dma_wait3A_358, %dma_wait3A_359] : memref<2x80x128xf32, #tpu.memory_space<vmem>> -> memref<1x80x128xf32, #tpu.memory_space<vmem>>
      %dma_wait3A_361 = tpu.memref_squeeze %dma_wait3A_360 : memref<1x80x128xf32, #tpu.memory_space<vmem>> -> memref<80x128xf32, #tpu.memory_space<vmem>>
      %dma_wait3A_362 = tpu.memref_slice %arg12[%mul3A_356] : memref<10000xi32, #tpu.memory_space<vmem>> -> memref<80xi32, #tpu.memory_space<vmem>>
      %dma_wait3A_363 = arith.constant 0 : i32
      %dma_wait3A_364 = arith.constant 0 : i32
      %dma_wait3A_365 = tpu.memref_slice %arg15[%dma_wait3A_363, %dma_wait3A_364] : memref<10112x128xf32, #tpu.memory_space<vmem_shared>> -> memref<10112x128xf32, #tpu.memory_space<vmem_shared>>
      tpu.wait_indirect_dma semaphore(%arg20 : memref<!tpu.dma_semaphore, #tpu.memory_space<semaphore_mem>>) src(%dma_wait3A_361 : memref<80x128xf32, #tpu.memory_space<vmem>>) dst(%dma_wait3A_365 : memref<10112x128xf32, #tpu.memory_space<vmem_shared>>)
      %dma_wait3A_366 = arith.constant 1 : i32
      %dma_wait3A_367 = arith.constant 0 : i32
      %dma_wait3A_368 = arith.constant 0 : i32
      %dma_wait3A_369 = tpu.memref_slice %arg14[%dma_wait3A_366, %dma_wait3A_367, %dma_wait3A_368] : memref<2x80x8xf32, #tpu.memory_space<vmem>> -> memref<1x80x8xf32, #tpu.memory_space<vmem>>
      %dma_wait3A_370 = tpu.memref_squeeze %dma_wait3A_369 : memref<1x80x8xf32, #tpu.memory_space<vmem>> -> memref<80x8xf32, #tpu.memory_space<vmem>>
      %dma_wait3A_371 = tpu.memref_slice %arg12[%mul3A_356] : memref<10000xi32, #tpu.memory_space<vmem>> -> memref<80xi32, #tpu.memory_space<vmem>>
      %dma_wait3A_372 = arith.constant 0 : i32
      %dma_wait3A_373 = arith.constant 0 : i32
      %dma_wait3A_374 = tpu.memref_slice %arg16[%dma_wait3A_372, %dma_wait3A_373] : memref<10112x8xf32, #tpu.memory_space<vmem_shared>> -> memref<10112x8xf32, #tpu.memory_space<vmem_shared>>
      tpu.wait_indirect_dma semaphore(%arg20 : memref<!tpu.dma_semaphore, #tpu.memory_space<semaphore_mem>>) src(%dma_wait3A_370 : memref<80x8xf32, #tpu.memory_space<vmem>>) dst(%dma_wait3A_374 : memref<10112x8xf32, #tpu.memory_space<vmem_shared>>)
      %add3A_375 = arith.constant 1 : i32
      %add3A_376 = arith.addi %add3A_352, %add3A_375 : i32
      %mul3A_377 = arith.constant 80 : i32
      %mul3A_378 = arith.muli %add3A_376, %mul3A_377 : i32
      %dma_start3A_379 = arith.constant 1 : i32
      %dma_start3A_380 = arith.constant 0 : i32
      %dma_start3A_381 = arith.constant 0 : i32
      %dma_start3A_382 = tpu.memref_slice %arg13[%dma_start3A_379, %dma_start3A_380, %dma_start3A_381] : memref<2x80x128xf32, #tpu.memory_space<vmem>> -> memref<1x80x128xf32, #tpu.memory_space<vmem>>
      %dma_start3A_383 = tpu.memref_squeeze %dma_start3A_382 : memref<1x80x128xf32, #tpu.memory_space<vmem>> -> memref<80x128xf32, #tpu.memory_space<vmem>>
      %dma_start3A_384 = tpu.memref_slice %arg11[%mul3A_378] : memref<10000xi32, #tpu.memory_space<vmem>> -> memref<80xi32, #tpu.memory_space<vmem>>
      %dma_start3A_385 = arith.constant 0 : i32
      %dma_start3A_386 = arith.constant 0 : i32
      %dma_start3A_387 = tpu.memref_slice %arg2[%dma_start3A_385, %dma_start3A_386] : memref<10000x128xf32, #tpu.memory_space<hbm>> -> memref<10000x128xf32, #tpu.memory_space<hbm>>
      tpu.enqueue_indirect_dma source(%dma_start3A_387 : memref<10000x128xf32, #tpu.memory_space<hbm>>) target(%dma_start3A_383 : memref<80x128xf32, #tpu.memory_space<vmem>>) offsets(%dma_start3A_384 : memref<80xi32, #tpu.memory_space<vmem>>) semaphore(%arg18 : memref<!tpu.dma_semaphore, #tpu.memory_space<semaphore_mem>>)
      %dma_start3A_388 = arith.constant 1 : i32
      %dma_start3A_389 = arith.constant 0 : i32
      %dma_start3A_390 = arith.constant 0 : i32
      %dma_start3A_391 = tpu.memref_slice %arg14[%dma_start3A_388, %dma_start3A_389, %dma_start3A_390] : memref<2x80x8xf32, #tpu.memory_space<vmem>> -> memref<1x80x8xf32, #tpu.memory_space<vmem>>
      %dma_start3A_392 = tpu.memref_squeeze %dma_start3A_391 : memref<1x80x8xf32, #tpu.memory_space<vmem>> -> memref<80x8xf32, #tpu.memory_space<vmem>>
      %dma_start3A_393 = tpu.memref_slice %arg11[%mul3A_378] : memref<10000xi32, #tpu.memory_space<vmem>> -> memref<80xi32, #tpu.memory_space<vmem>>
      %dma_start3A_394 = arith.constant 0 : i32
      %dma_start3A_395 = arith.constant 0 : i32
      %dma_start3A_396 = tpu.memref_slice %arg3[%dma_start3A_394, %dma_start3A_395] : memref<10000x8xf32, #tpu.memory_space<hbm>> -> memref<10000x8xf32, #tpu.memory_space<hbm>>
      tpu.enqueue_indirect_dma source(%dma_start3A_396 : memref<10000x8xf32, #tpu.memory_space<hbm>>) target(%dma_start3A_392 : memref<80x8xf32, #tpu.memory_space<vmem>>) offsets(%dma_start3A_393 : memref<80xi32, #tpu.memory_space<vmem>>) semaphore(%arg18 : memref<!tpu.dma_semaphore, #tpu.memory_space<semaphore_mem>>)
      %mul3A_397 = arith.constant 80 : i32
      %mul3A_398 = arith.muli %add3A_352, %mul3A_397 : i32
      %dma_wait3A_399 = arith.constant 0 : i32
      %dma_wait3A_400 = arith.constant 0 : i32
      %dma_wait3A_401 = arith.constant 0 : i32
      %dma_wait3A_402 = tpu.memref_slice %arg13[%dma_wait3A_399, %dma_wait3A_400, %dma_wait3A_401] : memref<2x80x128xf32, #tpu.memory_space<vmem>> -> memref<1x80x128xf32, #tpu.memory_space<vmem>>
      %dma_wait3A_403 = tpu.memref_squeeze %dma_wait3A_402 : memref<1x80x128xf32, #tpu.memory_space<vmem>> -> memref<80x128xf32, #tpu.memory_space<vmem>>
      %dma_wait3A_404 = tpu.memref_slice %arg11[%mul3A_398] : memref<10000xi32, #tpu.memory_space<vmem>> -> memref<80xi32, #tpu.memory_space<vmem>>
      %dma_wait3A_405 = arith.constant 0 : i32
      %dma_wait3A_406 = arith.constant 0 : i32
      %dma_wait3A_407 = tpu.memref_slice %arg2[%dma_wait3A_405, %dma_wait3A_406] : memref<10000x128xf32, #tpu.memory_space<hbm>> -> memref<10000x128xf32, #tpu.memory_space<hbm>>
      tpu.wait_indirect_dma semaphore(%arg17 : memref<!tpu.dma_semaphore, #tpu.memory_space<semaphore_mem>>) src(%dma_wait3A_407 : memref<10000x128xf32, #tpu.memory_space<hbm>>) dst(%dma_wait3A_403 : memref<80x128xf32, #tpu.memory_space<vmem>>)
      %dma_wait3A_408 = arith.constant 0 : i32
      %dma_wait3A_409 = arith.constant 0 : i32
      %dma_wait3A_410 = arith.constant 0 : i32
      %dma_wait3A_411 = tpu.memref_slice %arg14[%dma_wait3A_408, %dma_wait3A_409, %dma_wait3A_410] : memref<2x80x8xf32, #tpu.memory_space<vmem>> -> memref<1x80x8xf32, #tpu.memory_space<vmem>>
      %dma_wait3A_412 = tpu.memref_squeeze %dma_wait3A_411 : memref<1x80x8xf32, #tpu.memory_space<vmem>> -> memref<80x8xf32, #tpu.memory_space<vmem>>
      %dma_wait3A_413 = tpu.memref_slice %arg11[%mul3A_398] : memref<10000xi32, #tpu.memory_space<vmem>> -> memref<80xi32, #tpu.memory_space<vmem>>
      %dma_wait3A_414 = arith.constant 0 : i32
      %dma_wait3A_415 = arith.constant 0 : i32
      %dma_wait3A_416 = tpu.memref_slice %arg3[%dma_wait3A_414, %dma_wait3A_415] : memref<10000x8xf32, #tpu.memory_space<hbm>> -> memref<10000x8xf32, #tpu.memory_space<hbm>>
      tpu.wait_indirect_dma semaphore(%arg17 : memref<!tpu.dma_semaphore, #tpu.memory_space<semaphore_mem>>) src(%dma_wait3A_416 : memref<10000x8xf32, #tpu.memory_space<hbm>>) dst(%dma_wait3A_412 : memref<80x8xf32, #tpu.memory_space<vmem>>)
      %mul3A_417 = arith.constant 80 : i32
      %mul3A_418 = arith.muli %add3A_352, %mul3A_417 : i32
      %dma_start3A_419 = arith.constant 0 : i32
      %dma_start3A_420 = arith.constant 0 : i32
      %dma_start3A_421 = arith.constant 0 : i32
      %dma_start3A_422 = tpu.memref_slice %arg13[%dma_start3A_419, %dma_start3A_420, %dma_start3A_421] : memref<2x80x128xf32, #tpu.memory_space<vmem>> -> memref<1x80x128xf32, #tpu.memory_space<vmem>>
      %dma_start3A_423 = tpu.memref_squeeze %dma_start3A_422 : memref<1x80x128xf32, #tpu.memory_space<vmem>> -> memref<80x128xf32, #tpu.memory_space<vmem>>
      %dma_start3A_424 = tpu.memref_slice %arg12[%mul3A_418] : memref<10000xi32, #tpu.memory_space<vmem>> -> memref<80xi32, #tpu.memory_space<vmem>>
      %dma_start3A_425 = arith.constant 0 : i32
      %dma_start3A_426 = arith.constant 0 : i32
      %dma_start3A_427 = tpu.memref_slice %arg15[%dma_start3A_425, %dma_start3A_426] : memref<10112x128xf32, #tpu.memory_space<vmem_shared>> -> memref<10112x128xf32, #tpu.memory_space<vmem_shared>>
      tpu.enqueue_indirect_dma source(%dma_start3A_423 : memref<80x128xf32, #tpu.memory_space<vmem>>) target(%dma_start3A_427 : memref<10112x128xf32, #tpu.memory_space<vmem_shared>>) offsets(%dma_start3A_424 : memref<80xi32, #tpu.memory_space<vmem>>) semaphore(%arg19 : memref<!tpu.dma_semaphore, #tpu.memory_space<semaphore_mem>>) {add = true}
      %dma_start3A_428 = arith.constant 0 : i32
      %dma_start3A_429 = arith.constant 0 : i32
      %dma_start3A_430 = arith.constant 0 : i32
      %dma_start3A_431 = tpu.memref_slice %arg14[%dma_start3A_428, %dma_start3A_429, %dma_start3A_430] : memref<2x80x8xf32, #tpu.memory_space<vmem>> -> memref<1x80x8xf32, #tpu.memory_space<vmem>>
      %dma_start3A_432 = tpu.memref_squeeze %dma_start3A_431 : memref<1x80x8xf32, #tpu.memory_space<vmem>> -> memref<80x8xf32, #tpu.memory_space<vmem>>
      %dma_start3A_433 = tpu.memref_slice %arg12[%mul3A_418] : memref<10000xi32, #tpu.memory_space<vmem>> -> memref<80xi32, #tpu.memory_space<vmem>>
      %dma_start3A_434 = arith.constant 0 : i32
      %dma_start3A_435 = arith.constant 0 : i32
      %dma_start3A_436 = tpu.memref_slice %arg16[%dma_start3A_434, %dma_start3A_435] : memref<10112x8xf32, #tpu.memory_space<vmem_shared>> -> memref<10112x8xf32, #tpu.memory_space<vmem_shared>>
      tpu.enqueue_indirect_dma source(%dma_start3A_432 : memref<80x8xf32, #tpu.memory_space<vmem>>) target(%dma_start3A_436 : memref<10112x8xf32, #tpu.memory_space<vmem_shared>>) offsets(%dma_start3A_433 : memref<80xi32, #tpu.memory_space<vmem>>) semaphore(%arg19 : memref<!tpu.dma_semaphore, #tpu.memory_space<semaphore_mem>>) {add = true}
    }
    %scan3A_89 = arith.constant 61 : i32
    %dma_wait3A_90 = arith.constant 0 : i32
    %dma_wait3A_91 = arith.constant 0 : i32
    %dma_wait3A_92 = arith.constant 0 : i32
    %dma_wait3A_93 = tpu.memref_slice %arg13[%dma_wait3A_90, %dma_wait3A_91, %dma_wait3A_92] : memref<2x80x128xf32, #tpu.memory_space<vmem>> -> memref<1x80x128xf32, #tpu.memory_space<vmem>>
    %dma_wait3A_94 = tpu.memref_squeeze %dma_wait3A_93 : memref<1x80x128xf32, #tpu.memory_space<vmem>> -> memref<80x128xf32, #tpu.memory_space<vmem>>
    %dma_wait3A_95 = arith.constant 9760 : i32
    %dma_wait3A_96 = tpu.memref_slice %arg12[%dma_wait3A_95] : memref<10000xi32, #tpu.memory_space<vmem>> -> memref<80xi32, #tpu.memory_space<vmem>>
    %dma_wait3A_97 = arith.constant 0 : i32
    %dma_wait3A_98 = arith.constant 0 : i32
    %dma_wait3A_99 = tpu.memref_slice %arg15[%dma_wait3A_97, %dma_wait3A_98] : memref<10112x128xf32, #tpu.memory_space<vmem_shared>> -> memref<10112x128xf32, #tpu.memory_space<vmem_shared>>
    tpu.wait_indirect_dma semaphore(%arg19 : memref<!tpu.dma_semaphore, #tpu.memory_space<semaphore_mem>>) src(%dma_wait3A_94 : memref<80x128xf32, #tpu.memory_space<vmem>>) dst(%dma_wait3A_99 : memref<10112x128xf32, #tpu.memory_space<vmem_shared>>)
    %dma_wait3A_100 = arith.constant 0 : i32
    %dma_wait3A_101 = arith.constant 0 : i32
    %dma_wait3A_102 = arith.constant 0 : i32
    %dma_wait3A_103 = tpu.memref_slice %arg14[%dma_wait3A_100, %dma_wait3A_101, %dma_wait3A_102] : memref<2x80x8xf32, #tpu.memory_space<vmem>> -> memref<1x80x8xf32, #tpu.memory_space<vmem>>
    %dma_wait3A_104 = tpu.memref_squeeze %dma_wait3A_103 : memref<1x80x8xf32, #tpu.memory_space<vmem>> -> memref<80x8xf32, #tpu.memory_space<vmem>>
    %dma_wait3A_105 = arith.constant 9760 : i32
    %dma_wait3A_106 = tpu.memref_slice %arg12[%dma_wait3A_105] : memref<10000xi32, #tpu.memory_space<vmem>> -> memref<80xi32, #tpu.memory_space<vmem>>
    %dma_wait3A_107 = arith.constant 0 : i32
    %dma_wait3A_108 = arith.constant 0 : i32
    %dma_wait3A_109 = tpu.memref_slice %arg16[%dma_wait3A_107, %dma_wait3A_108] : memref<10112x8xf32, #tpu.memory_space<vmem_shared>> -> memref<10112x8xf32, #tpu.memory_space<vmem_shared>>
    tpu.wait_indirect_dma semaphore(%arg19 : memref<!tpu.dma_semaphore, #tpu.memory_space<semaphore_mem>>) src(%dma_wait3A_104 : memref<80x8xf32, #tpu.memory_space<vmem>>) dst(%dma_wait3A_109 : memref<10112x8xf32, #tpu.memory_space<vmem_shared>>)
    %dma_start3A_110 = arith.constant 0 : i32
    %dma_start3A_111 = arith.constant 0 : i32
    %dma_start3A_112 = arith.constant 0 : i32
    %dma_start3A_113 = tpu.memref_slice %arg13[%dma_start3A_110, %dma_start3A_111, %dma_start3A_112] : memref<2x80x128xf32, #tpu.memory_space<vmem>> -> memref<1x80x128xf32, #tpu.memory_space<vmem>>
    %dma_start3A_114 = tpu.memref_squeeze %dma_start3A_113 : memref<1x80x128xf32, #tpu.memory_space<vmem>> -> memref<80x128xf32, #tpu.memory_space<vmem>>
    %dma_start3A_115 = arith.constant 9920 : i32
    %dma_start3A_116 = tpu.memref_slice %arg11[%dma_start3A_115] : memref<10000xi32, #tpu.memory_space<vmem>> -> memref<80xi32, #tpu.memory_space<vmem>>
    %dma_start3A_117 = arith.constant 0 : i32
    %dma_start3A_118 = arith.constant 0 : i32
    %dma_start3A_119 = tpu.memref_slice %arg2[%dma_start3A_117, %dma_start3A_118] : memref<10000x128xf32, #tpu.memory_space<hbm>> -> memref<10000x128xf32, #tpu.memory_space<hbm>>
    tpu.enqueue_indirect_dma source(%dma_start3A_119 : memref<10000x128xf32, #tpu.memory_space<hbm>>) target(%dma_start3A_114 : memref<80x128xf32, #tpu.memory_space<vmem>>) offsets(%dma_start3A_116 : memref<80xi32, #tpu.memory_space<vmem>>) semaphore(%arg17 : memref<!tpu.dma_semaphore, #tpu.memory_space<semaphore_mem>>)
    %dma_start3A_120 = arith.constant 0 : i32
    %dma_start3A_121 = arith.constant 0 : i32
    %dma_start3A_122 = arith.constant 0 : i32
    %dma_start3A_123 = tpu.memref_slice %arg14[%dma_start3A_120, %dma_start3A_121, %dma_start3A_122] : memref<2x80x8xf32, #tpu.memory_space<vmem>> -> memref<1x80x8xf32, #tpu.memory_space<vmem>>
    %dma_start3A_124 = tpu.memref_squeeze %dma_start3A_123 : memref<1x80x8xf32, #tpu.memory_space<vmem>> -> memref<80x8xf32, #tpu.memory_space<vmem>>
    %dma_start3A_125 = arith.constant 9920 : i32
    %dma_start3A_126 = tpu.memref_slice %arg11[%dma_start3A_125] : memref<10000xi32, #tpu.memory_space<vmem>> -> memref<80xi32, #tpu.memory_space<vmem>>
    %dma_start3A_127 = arith.constant 0 : i32
    %dma_start3A_128 = arith.constant 0 : i32
    %dma_start3A_129 = tpu.memref_slice %arg3[%dma_start3A_127, %dma_start3A_128] : memref<10000x8xf32, #tpu.memory_space<hbm>> -> memref<10000x8xf32, #tpu.memory_space<hbm>>
    tpu.enqueue_indirect_dma source(%dma_start3A_129 : memref<10000x8xf32, #tpu.memory_space<hbm>>) target(%dma_start3A_124 : memref<80x8xf32, #tpu.memory_space<vmem>>) offsets(%dma_start3A_126 : memref<80xi32, #tpu.memory_space<vmem>>) semaphore(%arg17 : memref<!tpu.dma_semaphore, #tpu.memory_space<semaphore_mem>>)
    %dma_wait3A_130 = arith.constant 1 : i32
    %dma_wait3A_131 = arith.constant 0 : i32
    %dma_wait3A_132 = arith.constant 0 : i32
    %dma_wait3A_133 = tpu.memref_slice %arg13[%dma_wait3A_130, %dma_wait3A_131, %dma_wait3A_132] : memref<2x80x128xf32, #tpu.memory_space<vmem>> -> memref<1x80x128xf32, #tpu.memory_space<vmem>>
    %dma_wait3A_134 = tpu.memref_squeeze %dma_wait3A_133 : memref<1x80x128xf32, #tpu.memory_space<vmem>> -> memref<80x128xf32, #tpu.memory_space<vmem>>
    %dma_wait3A_135 = arith.constant 9840 : i32
    %dma_wait3A_136 = tpu.memref_slice %arg11[%dma_wait3A_135] : memref<10000xi32, #tpu.memory_space<vmem>> -> memref<80xi32, #tpu.memory_space<vmem>>
    %dma_wait3A_137 = arith.constant 0 : i32
    %dma_wait3A_138 = arith.constant 0 : i32
    %dma_wait3A_139 = tpu.memref_slice %arg2[%dma_wait3A_137, %dma_wait3A_138] : memref<10000x128xf32, #tpu.memory_space<hbm>> -> memref<10000x128xf32, #tpu.memory_space<hbm>>
    tpu.wait_indirect_dma semaphore(%arg18 : memref<!tpu.dma_semaphore, #tpu.memory_space<semaphore_mem>>) src(%dma_wait3A_139 : memref<10000x128xf32, #tpu.memory_space<hbm>>) dst(%dma_wait3A_134 : memref<80x128xf32, #tpu.memory_space<vmem>>)
    %dma_wait3A_140 = arith.constant 1 : i32
    %dma_wait3A_141 = arith.constant 0 : i32
    %dma_wait3A_142 = arith.constant 0 : i32
    %dma_wait3A_143 = tpu.memref_slice %arg14[%dma_wait3A_140, %dma_wait3A_141, %dma_wait3A_142] : memref<2x80x8xf32, #tpu.memory_space<vmem>> -> memref<1x80x8xf32, #tpu.memory_space<vmem>>
    %dma_wait3A_144 = tpu.memref_squeeze %dma_wait3A_143 : memref<1x80x8xf32, #tpu.memory_space<vmem>> -> memref<80x8xf32, #tpu.memory_space<vmem>>
    %dma_wait3A_145 = arith.constant 9840 : i32
    %dma_wait3A_146 = tpu.memref_slice %arg11[%dma_wait3A_145] : memref<10000xi32, #tpu.memory_space<vmem>> -> memref<80xi32, #tpu.memory_space<vmem>>
    %dma_wait3A_147 = arith.constant 0 : i32
    %dma_wait3A_148 = arith.constant 0 : i32
    %dma_wait3A_149 = tpu.memref_slice %arg3[%dma_wait3A_147, %dma_wait3A_148] : memref<10000x8xf32, #tpu.memory_space<hbm>> -> memref<10000x8xf32, #tpu.memory_space<hbm>>
    tpu.wait_indirect_dma semaphore(%arg18 : memref<!tpu.dma_semaphore, #tpu.memory_space<semaphore_mem>>) src(%dma_wait3A_149 : memref<10000x8xf32, #tpu.memory_space<hbm>>) dst(%dma_wait3A_144 : memref<80x8xf32, #tpu.memory_space<vmem>>)
    %dma_start3A_150 = arith.constant 1 : i32
    %dma_start3A_151 = arith.constant 0 : i32
    %dma_start3A_152 = arith.constant 0 : i32
    %dma_start3A_153 = tpu.memref_slice %arg13[%dma_start3A_150, %dma_start3A_151, %dma_start3A_152] : memref<2x80x128xf32, #tpu.memory_space<vmem>> -> memref<1x80x128xf32, #tpu.memory_space<vmem>>
    %dma_start3A_154 = tpu.memref_squeeze %dma_start3A_153 : memref<1x80x128xf32, #tpu.memory_space<vmem>> -> memref<80x128xf32, #tpu.memory_space<vmem>>
    %dma_start3A_155 = arith.constant 9840 : i32
    %dma_start3A_156 = tpu.memref_slice %arg12[%dma_start3A_155] : memref<10000xi32, #tpu.memory_space<vmem>> -> memref<80xi32, #tpu.memory_space<vmem>>
    %dma_start3A_157 = arith.constant 0 : i32
    %dma_start3A_158 = arith.constant 0 : i32
    %dma_start3A_159 = tpu.memref_slice %arg15[%dma_start3A_157, %dma_start3A_158] : memref<10112x128xf32, #tpu.memory_space<vmem_shared>> -> memref<10112x128xf32, #tpu.memory_space<vmem_shared>>
    tpu.enqueue_indirect_dma source(%dma_start3A_154 : memref<80x128xf32, #tpu.memory_space<vmem>>) target(%dma_start3A_159 : memref<10112x128xf32, #tpu.memory_space<vmem_shared>>) offsets(%dma_start3A_156 : memref<80xi32, #tpu.memory_space<vmem>>) semaphore(%arg20 : memref<!tpu.dma_semaphore, #tpu.memory_space<semaphore_mem>>) {add = true}
    %dma_start3A_160 = arith.constant 1 : i32
    %dma_start3A_161 = arith.constant 0 : i32
    %dma_start3A_162 = arith.constant 0 : i32
    %dma_start3A_163 = tpu.memref_slice %arg14[%dma_start3A_160, %dma_start3A_161, %dma_start3A_162] : memref<2x80x8xf32, #tpu.memory_space<vmem>> -> memref<1x80x8xf32, #tpu.memory_space<vmem>>
    %dma_start3A_164 = tpu.memref_squeeze %dma_start3A_163 : memref<1x80x8xf32, #tpu.memory_space<vmem>> -> memref<80x8xf32, #tpu.memory_space<vmem>>
    %dma_start3A_165 = arith.constant 9840 : i32
    %dma_start3A_166 = tpu.memref_slice %arg12[%dma_start3A_165] : memref<10000xi32, #tpu.memory_space<vmem>> -> memref<80xi32, #tpu.memory_space<vmem>>
    %dma_start3A_167 = arith.constant 0 : i32
    %dma_start3A_168 = arith.constant 0 : i32
    %dma_start3A_169 = tpu.memref_slice %arg16[%dma_start3A_167, %dma_start3A_168] : memref<10112x8xf32, #tpu.memory_space<vmem_shared>> -> memref<10112x8xf32, #tpu.memory_space<vmem_shared>>
    tpu.enqueue_indirect_dma source(%dma_start3A_164 : memref<80x8xf32, #tpu.memory_space<vmem>>) target(%dma_start3A_169 : memref<10112x8xf32, #tpu.memory_space<vmem_shared>>) offsets(%dma_start3A_166 : memref<80xi32, #tpu.memory_space<vmem>>) semaphore(%arg20 : memref<!tpu.dma_semaphore, #tpu.memory_space<semaphore_mem>>) {add = true}
    %dma_wait3A_170 = arith.constant 1 : i32
    %dma_wait3A_171 = arith.constant 0 : i32
    %dma_wait3A_172 = arith.constant 0 : i32
    %dma_wait3A_173 = tpu.memref_slice %arg13[%dma_wait3A_170, %dma_wait3A_171, %dma_wait3A_172] : memref<2x80x128xf32, #tpu.memory_space<vmem>> -> memref<1x80x128xf32, #tpu.memory_space<vmem>>
    %dma_wait3A_174 = tpu.memref_squeeze %dma_wait3A_173 : memref<1x80x128xf32, #tpu.memory_space<vmem>> -> memref<80x128xf32, #tpu.memory_space<vmem>>
    %dma_wait3A_175 = arith.constant 9840 : i32
    %dma_wait3A_176 = tpu.memref_slice %arg12[%dma_wait3A_175] : memref<10000xi32, #tpu.memory_space<vmem>> -> memref<80xi32, #tpu.memory_space<vmem>>
    %dma_wait3A_177 = arith.constant 0 : i32
    %dma_wait3A_178 = arith.constant 0 : i32
    %dma_wait3A_179 = tpu.memref_slice %arg15[%dma_wait3A_177, %dma_wait3A_178] : memref<10112x128xf32, #tpu.memory_space<vmem_shared>> -> memref<10112x128xf32, #tpu.memory_space<vmem_shared>>
    tpu.wait_indirect_dma semaphore(%arg20 : memref<!tpu.dma_semaphore, #tpu.memory_space<semaphore_mem>>) src(%dma_wait3A_174 : memref<80x128xf32, #tpu.memory_space<vmem>>) dst(%dma_wait3A_179 : memref<10112x128xf32, #tpu.memory_space<vmem_shared>>)
    %dma_wait3A_180 = arith.constant 1 : i32
    %dma_wait3A_181 = arith.constant 0 : i32
    %dma_wait3A_182 = arith.constant 0 : i32
    %dma_wait3A_183 = tpu.memref_slice %arg14[%dma_wait3A_180, %dma_wait3A_181, %dma_wait3A_182] : memref<2x80x8xf32, #tpu.memory_space<vmem>> -> memref<1x80x8xf32, #tpu.memory_space<vmem>>
    %dma_wait3A_184 = tpu.memref_squeeze %dma_wait3A_183 : memref<1x80x8xf32, #tpu.memory_space<vmem>> -> memref<80x8xf32, #tpu.memory_space<vmem>>
    %dma_wait3A_185 = arith.constant 9840 : i32
    %dma_wait3A_186 = tpu.memref_slice %arg12[%dma_wait3A_185] : memref<10000xi32, #tpu.memory_space<vmem>> -> memref<80xi32, #tpu.memory_space<vmem>>
    %dma_wait3A_187 = arith.constant 0 : i32
    %dma_wait3A_188 = arith.constant 0 : i32
    %dma_wait3A_189 = tpu.memref_slice %arg16[%dma_wait3A_187, %dma_wait3A_188] : memref<10112x8xf32, #tpu.memory_space<vmem_shared>> -> memref<10112x8xf32, #tpu.memory_space<vmem_shared>>
    tpu.wait_indirect_dma semaphore(%arg20 : memref<!tpu.dma_semaphore, #tpu.memory_space<semaphore_mem>>) src(%dma_wait3A_184 : memref<80x8xf32, #tpu.memory_space<vmem>>) dst(%dma_wait3A_189 : memref<10112x8xf32, #tpu.memory_space<vmem_shared>>)
    %dma_wait3A_190 = arith.constant 0 : i32
    %dma_wait3A_191 = arith.constant 0 : i32
    %dma_wait3A_192 = arith.constant 0 : i32
    %dma_wait3A_193 = tpu.memref_slice %arg13[%dma_wait3A_190, %dma_wait3A_191, %dma_wait3A_192] : memref<2x80x128xf32, #tpu.memory_space<vmem>> -> memref<1x80x128xf32, #tpu.memory_space<vmem>>
    %dma_wait3A_194 = tpu.memref_squeeze %dma_wait3A_193 : memref<1x80x128xf32, #tpu.memory_space<vmem>> -> memref<80x128xf32, #tpu.memory_space<vmem>>
    %dma_wait3A_195 = arith.constant 9920 : i32
    %dma_wait3A_196 = tpu.memref_slice %arg11[%dma_wait3A_195] : memref<10000xi32, #tpu.memory_space<vmem>> -> memref<80xi32, #tpu.memory_space<vmem>>
    %dma_wait3A_197 = arith.constant 0 : i32
    %dma_wait3A_198 = arith.constant 0 : i32
    %dma_wait3A_199 = tpu.memref_slice %arg2[%dma_wait3A_197, %dma_wait3A_198] : memref<10000x128xf32, #tpu.memory_space<hbm>> -> memref<10000x128xf32, #tpu.memory_space<hbm>>
    tpu.wait_indirect_dma semaphore(%arg17 : memref<!tpu.dma_semaphore, #tpu.memory_space<semaphore_mem>>) src(%dma_wait3A_199 : memref<10000x128xf32, #tpu.memory_space<hbm>>) dst(%dma_wait3A_194 : memref<80x128xf32, #tpu.memory_space<vmem>>)
    %dma_wait3A_200 = arith.constant 0 : i32
    %dma_wait3A_201 = arith.constant 0 : i32
    %dma_wait3A_202 = arith.constant 0 : i32
    %dma_wait3A_203 = tpu.memref_slice %arg14[%dma_wait3A_200, %dma_wait3A_201, %dma_wait3A_202] : memref<2x80x8xf32, #tpu.memory_space<vmem>> -> memref<1x80x8xf32, #tpu.memory_space<vmem>>
    %dma_wait3A_204 = tpu.memref_squeeze %dma_wait3A_203 : memref<1x80x8xf32, #tpu.memory_space<vmem>> -> memref<80x8xf32, #tpu.memory_space<vmem>>
    %dma_wait3A_205 = arith.constant 9920 : i32
    %dma_wait3A_206 = tpu.memref_slice %arg11[%dma_wait3A_205] : memref<10000xi32, #tpu.memory_space<vmem>> -> memref<80xi32, #tpu.memory_space<vmem>>
    %dma_wait3A_207 = arith.constant 0 : i32
    %dma_wait3A_208 = arith.constant 0 : i32
    %dma_wait3A_209 = tpu.memref_slice %arg3[%dma_wait3A_207, %dma_wait3A_208] : memref<10000x8xf32, #tpu.memory_space<hbm>> -> memref<10000x8xf32, #tpu.memory_space<hbm>>
    tpu.wait_indirect_dma semaphore(%arg17 : memref<!tpu.dma_semaphore, #tpu.memory_space<semaphore_mem>>) src(%dma_wait3A_209 : memref<10000x8xf32, #tpu.memory_space<hbm>>) dst(%dma_wait3A_204 : memref<80x8xf32, #tpu.memory_space<vmem>>)
    %dma_start3A_210 = arith.constant 0 : i32
    %dma_start3A_211 = arith.constant 0 : i32
    %dma_start3A_212 = arith.constant 0 : i32
    %dma_start3A_213 = tpu.memref_slice %arg13[%dma_start3A_210, %dma_start3A_211, %dma_start3A_212] : memref<2x80x128xf32, #tpu.memory_space<vmem>> -> memref<1x80x128xf32, #tpu.memory_space<vmem>>
    %dma_start3A_214 = tpu.memref_squeeze %dma_start3A_213 : memref<1x80x128xf32, #tpu.memory_space<vmem>> -> memref<80x128xf32, #tpu.memory_space<vmem>>
    %dma_start3A_215 = arith.constant 9920 : i32
    %dma_start3A_216 = tpu.memref_slice %arg12[%dma_start3A_215] : memref<10000xi32, #tpu.memory_space<vmem>> -> memref<80xi32, #tpu.memory_space<vmem>>
    %dma_start3A_217 = arith.constant 0 : i32
    %dma_start3A_218 = arith.constant 0 : i32
    %dma_start3A_219 = tpu.memref_slice %arg15[%dma_start3A_217, %dma_start3A_218] : memref<10112x128xf32, #tpu.memory_space<vmem_shared>> -> memref<10112x128xf32, #tpu.memory_space<vmem_shared>>
    tpu.enqueue_indirect_dma source(%dma_start3A_214 : memref<80x128xf32, #tpu.memory_space<vmem>>) target(%dma_start3A_219 : memref<10112x128xf32, #tpu.memory_space<vmem_shared>>) offsets(%dma_start3A_216 : memref<80xi32, #tpu.memory_space<vmem>>) semaphore(%arg19 : memref<!tpu.dma_semaphore, #tpu.memory_space<semaphore_mem>>) {add = true}
    %dma_start3A_220 = arith.constant 0 : i32
    %dma_start3A_221 = arith.constant 0 : i32
    %dma_start3A_222 = arith.constant 0 : i32
    %dma_start3A_223 = tpu.memref_slice %arg14[%dma_start3A_220, %dma_start3A_221, %dma_start3A_222] : memref<2x80x8xf32, #tpu.memory_space<vmem>> -> memref<1x80x8xf32, #tpu.memory_space<vmem>>
    %dma_start3A_224 = tpu.memref_squeeze %dma_start3A_223 : memref<1x80x8xf32, #tpu.memory_space<vmem>> -> memref<80x8xf32, #tpu.memory_space<vmem>>
    %dma_start3A_225 = arith.constant 9920 : i32
    %dma_start3A_226 = tpu.memref_slice %arg12[%dma_start3A_225] : memref<10000xi32, #tpu.memory_space<vmem>> -> memref<80xi32, #tpu.memory_space<vmem>>
    %dma_start3A_227 = arith.constant 0 : i32
    %dma_start3A_228 = arith.constant 0 : i32
    %dma_start3A_229 = tpu.memref_slice %arg16[%dma_start3A_227, %dma_start3A_228] : memref<10112x8xf32, #tpu.memory_space<vmem_shared>> -> memref<10112x8xf32, #tpu.memory_space<vmem_shared>>
    tpu.enqueue_indirect_dma source(%dma_start3A_224 : memref<80x8xf32, #tpu.memory_space<vmem>>) target(%dma_start3A_229 : memref<10112x8xf32, #tpu.memory_space<vmem_shared>>) offsets(%dma_start3A_226 : memref<80xi32, #tpu.memory_space<vmem>>) semaphore(%arg19 : memref<!tpu.dma_semaphore, #tpu.memory_space<semaphore_mem>>) {add = true}
    %dma_wait3A_230 = arith.constant 0 : i32
    %dma_wait3A_231 = arith.constant 0 : i32
    %dma_wait3A_232 = arith.constant 0 : i32
    %dma_wait3A_233 = tpu.memref_slice %arg13[%dma_wait3A_230, %dma_wait3A_231, %dma_wait3A_232] : memref<2x80x128xf32, #tpu.memory_space<vmem>> -> memref<1x80x128xf32, #tpu.memory_space<vmem>>
    %dma_wait3A_234 = tpu.memref_squeeze %dma_wait3A_233 : memref<1x80x128xf32, #tpu.memory_space<vmem>> -> memref<80x128xf32, #tpu.memory_space<vmem>>
    %dma_wait3A_235 = arith.constant 9920 : i32
    %dma_wait3A_236 = tpu.memref_slice %arg12[%dma_wait3A_235] : memref<10000xi32, #tpu.memory_space<vmem>> -> memref<80xi32, #tpu.memory_space<vmem>>
    %dma_wait3A_237 = arith.constant 0 : i32
    %dma_wait3A_238 = arith.constant 0 : i32
    %dma_wait3A_239 = tpu.memref_slice %arg15[%dma_wait3A_237, %dma_wait3A_238] : memref<10112x128xf32, #tpu.memory_space<vmem_shared>> -> memref<10112x128xf32, #tpu.memory_space<vmem_shared>>
    tpu.wait_indirect_dma semaphore(%arg19 : memref<!tpu.dma_semaphore, #tpu.memory_space<semaphore_mem>>) src(%dma_wait3A_234 : memref<80x128xf32, #tpu.memory_space<vmem>>) dst(%dma_wait3A_239 : memref<10112x128xf32, #tpu.memory_space<vmem_shared>>)
    %dma_wait3A_240 = arith.constant 0 : i32
    %dma_wait3A_241 = arith.constant 0 : i32
    %dma_wait3A_242 = arith.constant 0 : i32
    %dma_wait3A_243 = tpu.memref_slice %arg14[%dma_wait3A_240, %dma_wait3A_241, %dma_wait3A_242] : memref<2x80x8xf32, #tpu.memory_space<vmem>> -> memref<1x80x8xf32, #tpu.memory_space<vmem>>
    %dma_wait3A_244 = tpu.memref_squeeze %dma_wait3A_243 : memref<1x80x8xf32, #tpu.memory_space<vmem>> -> memref<80x8xf32, #tpu.memory_space<vmem>>
    %dma_wait3A_245 = arith.constant 9920 : i32
    %dma_wait3A_246 = tpu.memref_slice %arg12[%dma_wait3A_245] : memref<10000xi32, #tpu.memory_space<vmem>> -> memref<80xi32, #tpu.memory_space<vmem>>
    %dma_wait3A_247 = arith.constant 0 : i32
    %dma_wait3A_248 = arith.constant 0 : i32
    %dma_wait3A_249 = tpu.memref_slice %arg16[%dma_wait3A_247, %dma_wait3A_248] : memref<10112x8xf32, #tpu.memory_space<vmem_shared>> -> memref<10112x8xf32, #tpu.memory_space<vmem_shared>>
    tpu.wait_indirect_dma semaphore(%arg19 : memref<!tpu.dma_semaphore, #tpu.memory_space<semaphore_mem>>) src(%dma_wait3A_244 : memref<80x8xf32, #tpu.memory_space<vmem>>) dst(%dma_wait3A_249 : memref<10112x8xf32, #tpu.memory_space<vmem_shared>>)
    %barrier3A = arith.constant 0 : index
    tpu.barrier barrier_id(%barrier3A)
    %eq3A = arith.constant 0 : i32
    %eq3A_250 = arith.cmpi eq, %arg0, %eq3A : i32
    %convert_element_type3A = arith.extui %eq3A_250 : i1 to i32
    %cond3A = arith.constant 0 : i32
    %cond3A_251 = arith.cmpi ne, %convert_element_type3A, %cond3A : i32
    scf.if %cond3A_251 {
      "tpu.region"() ({
        %run_scoped3A = tpu.sem_alloc : memref<!tpu.dma_semaphore, #tpu.memory_space<semaphore_mem>>
        %dma_start3A_257 = arith.constant 0 : i32
        %dma_start3A_258 = tpu.memref_slice %arg7[%multiple_of3A, %dma_start3A_257] : memref<10112x128xf32, #tpu.memory_space<hbm>> -> memref<632x128xf32, #tpu.memory_space<hbm>>
        %dma_start3A_259 = arith.constant 0 : i32
        %dma_start3A_260 = tpu.memref_slice %arg15[%multiple_of3A, %dma_start3A_259] : memref<10112x128xf32, #tpu.memory_space<vmem_shared>> -> memref<632x128xf32, #tpu.memory_space<vmem_shared>>
        tpu.enqueue_dma source(%dma_start3A_260 : memref<632x128xf32, #tpu.memory_space<vmem_shared>>) target(%dma_start3A_258 : memref<632x128xf32, #tpu.memory_space<hbm>>) target_semaphore(%run_scoped3A : memref<!tpu.dma_semaphore, #tpu.memory_space<semaphore_mem>>)
        %dma_wait3A_261 = arith.constant 0 : i32
        %dma_wait3A_262 = tpu.memref_slice %arg7[%multiple_of3A, %dma_wait3A_261] : memref<10112x128xf32, #tpu.memory_space<hbm>> -> memref<632x128xf32, #tpu.memory_space<hbm>>
        %dma_wait3A_263 = arith.constant 0 : i32
        %dma_wait3A_264 = tpu.memref_slice %arg15[%multiple_of3A, %dma_wait3A_263] : memref<10112x128xf32, #tpu.memory_space<vmem_shared>> -> memref<632x128xf32, #tpu.memory_space<vmem_shared>>
        tpu.wait_dma2 semaphore(%run_scoped3A : memref<!tpu.dma_semaphore, #tpu.memory_space<semaphore_mem>>) src(%dma_wait3A_264 : memref<632x128xf32, #tpu.memory_space<vmem_shared>>) dst(%dma_wait3A_262 : memref<632x128xf32, #tpu.memory_space<hbm>>)
        tpu.yield
      }) : () -> ()
      "tpu.region"() ({
        %run_scoped3A = tpu.sem_alloc : memref<!tpu.dma_semaphore, #tpu.memory_space<semaphore_mem>>
        %dma_start3A_257 = arith.constant 0 : i32
        %dma_start3A_258 = tpu.memref_slice %arg9[%multiple_of3A, %dma_start3A_257] : memref<10112x128xf32, #tpu.memory_space<hbm>> -> memref<632x8xf32, #tpu.memory_space<hbm>>
        %dma_start3A_259 = arith.constant 0 : i32
        %dma_start3A_260 = tpu.memref_slice %arg16[%multiple_of3A, %dma_start3A_259] : memref<10112x8xf32, #tpu.memory_space<vmem_shared>> -> memref<632x8xf32, #tpu.memory_space<vmem_shared>>
        tpu.enqueue_dma source(%dma_start3A_260 : memref<632x8xf32, #tpu.memory_space<vmem_shared>>) target(%dma_start3A_258 : memref<632x8xf32, #tpu.memory_space<hbm>>) target_semaphore(%run_scoped3A : memref<!tpu.dma_semaphore, #tpu.memory_space<semaphore_mem>>)
        %dma_wait3A_261 = arith.constant 0 : i32
        %dma_wait3A_262 = tpu.memref_slice %arg9[%multiple_of3A, %dma_wait3A_261] : memref<10112x128xf32, #tpu.memory_space<hbm>> -> memref<632x8xf32, #tpu.memory_space<hbm>>
        %dma_wait3A_263 = arith.constant 0 : i32
        %dma_wait3A_264 = tpu.memref_slice %arg16[%multiple_of3A, %dma_wait3A_263] : memref<10112x8xf32, #tpu.memory_space<vmem_shared>> -> memref<632x8xf32, #tpu.memory_space<vmem_shared>>
        tpu.wait_dma2 semaphore(%run_scoped3A : memref<!tpu.dma_semaphore, #tpu.memory_space<semaphore_mem>>) src(%dma_wait3A_264 : memref<632x8xf32, #tpu.memory_space<vmem_shared>>) dst(%dma_wait3A_262 : memref<632x8xf32, #tpu.memory_space<hbm>>)
        tpu.yield
      }) : () -> ()
    } else {
    }
    %eq3A_252 = arith.constant 1 : i32
    %eq3A_253 = arith.cmpi eq, %arg0, %eq3A_252 : i32
    %convert_element_type3A_254 = arith.extui %eq3A_253 : i1 to i32
    %cond3A_255 = arith.constant 0 : i32
    %cond3A_256 = arith.cmpi ne, %convert_element_type3A_254, %cond3A_255 : i32
    scf.if %cond3A_256 {
      "tpu.region"() ({
        %run_scoped3A = tpu.sem_alloc : memref<!tpu.dma_semaphore, #tpu.memory_space<semaphore_mem>>
        %dma_start3A_257 = arith.constant 0 : i32
        %dma_start3A_258 = tpu.memref_slice %arg8[%multiple_of3A, %dma_start3A_257] : memref<10112x128xf32, #tpu.memory_space<hbm>> -> memref<632x128xf32, #tpu.memory_space<hbm>>
        %dma_start3A_259 = arith.constant 0 : i32
        %dma_start3A_260 = tpu.memref_slice %arg15[%multiple_of3A, %dma_start3A_259] : memref<10112x128xf32, #tpu.memory_space<vmem_shared>> -> memref<632x128xf32, #tpu.memory_space<vmem_shared>>
        tpu.enqueue_dma source(%dma_start3A_260 : memref<632x128xf32, #tpu.memory_space<vmem_shared>>) target(%dma_start3A_258 : memref<632x128xf32, #tpu.memory_space<hbm>>) target_semaphore(%run_scoped3A : memref<!tpu.dma_semaphore, #tpu.memory_space<semaphore_mem>>)
        %dma_wait3A_261 = arith.constant 0 : i32
        %dma_wait3A_262 = tpu.memref_slice %arg8[%multiple_of3A, %dma_wait3A_261] : memref<10112x128xf32, #tpu.memory_space<hbm>> -> memref<632x128xf32, #tpu.memory_space<hbm>>
        %dma_wait3A_263 = arith.constant 0 : i32
        %dma_wait3A_264 = tpu.memref_slice %arg15[%multiple_of3A, %dma_wait3A_263] : memref<10112x128xf32, #tpu.memory_space<vmem_shared>> -> memref<632x128xf32, #tpu.memory_space<vmem_shared>>
        tpu.wait_dma2 semaphore(%run_scoped3A : memref<!tpu.dma_semaphore, #tpu.memory_space<semaphore_mem>>) src(%dma_wait3A_264 : memref<632x128xf32, #tpu.memory_space<vmem_shared>>) dst(%dma_wait3A_262 : memref<632x128xf32, #tpu.memory_space<hbm>>)
        tpu.yield
      }) : () -> ()
      "tpu.region"() ({
        %run_scoped3A = tpu.sem_alloc : memref<!tpu.dma_semaphore, #tpu.memory_space<semaphore_mem>>
        %dma_start3A_257 = arith.constant 0 : i32
        %dma_start3A_258 = tpu.memref_slice %arg10[%multiple_of3A, %dma_start3A_257] : memref<10112x128xf32, #tpu.memory_space<hbm>> -> memref<632x8xf32, #tpu.memory_space<hbm>>
        %dma_start3A_259 = arith.constant 0 : i32
        %dma_start3A_260 = tpu.memref_slice %arg16[%multiple_of3A, %dma_start3A_259] : memref<10112x8xf32, #tpu.memory_space<vmem_shared>> -> memref<632x8xf32, #tpu.memory_space<vmem_shared>>
        tpu.enqueue_dma source(%dma_start3A_260 : memref<632x8xf32, #tpu.memory_space<vmem_shared>>) target(%dma_start3A_258 : memref<632x8xf32, #tpu.memory_space<hbm>>) target_semaphore(%run_scoped3A : memref<!tpu.dma_semaphore, #tpu.memory_space<semaphore_mem>>)
        %dma_wait3A_261 = arith.constant 0 : i32
        %dma_wait3A_262 = tpu.memref_slice %arg10[%multiple_of3A, %dma_wait3A_261] : memref<10112x128xf32, #tpu.memory_space<hbm>> -> memref<632x8xf32, #tpu.memory_space<hbm>>
        %dma_wait3A_263 = arith.constant 0 : i32
        %dma_wait3A_264 = tpu.memref_slice %arg16[%multiple_of3A, %dma_wait3A_263] : memref<10112x8xf32, #tpu.memory_space<vmem_shared>> -> memref<632x8xf32, #tpu.memory_space<vmem_shared>>
        tpu.wait_dma2 semaphore(%run_scoped3A : memref<!tpu.dma_semaphore, #tpu.memory_space<semaphore_mem>>) src(%dma_wait3A_264 : memref<632x8xf32, #tpu.memory_space<vmem_shared>>) dst(%dma_wait3A_262 : memref<632x8xf32, #tpu.memory_space<hbm>>)
        tpu.yield
      }) : () -> ()
    } else {
    }
    return
  }
}

module attributes {stable_mosaic.version = 14 : i64} {
  func.func @_prep_body(%arg0: i32, %arg1: memref<2000x128xf32, #tpu.memory_space<vmem>>, %arg2: memref<128x128xf32, #tpu.memory_space<vmem>>, %arg3: memref<1x128xf32, #tpu.memory_space<vmem>>, %arg4: memref<1x128xf32, #tpu.memory_space<vmem>>, %arg5: memref<8x128xf32, #tpu.memory_space<vmem>>, %arg6: memref<4xf32, #tpu.memory_space<smem>>, %arg7: memref<2000x128xf32, #tpu.memory_space<vmem>>, %arg8: memref<2000x128xf32, #tpu.memory_space<vmem>>, %arg9: memref<2000x8xf32, #tpu.memory_space<vmem>>, %arg10: memref<2000x128xf32, #tpu.memory_space<vmem>>) attributes {dimension_semantics = [#tpu.dimension_semantics<arbitrary>], iteration_bounds = array<i64: 5>, scalar_prefetch = 0 : i64, scratch_operands = 0 : i64, tpu.core_type = #tpu.core_type<tc>, window_params = [{transform_indices = @transform_0, window_bounds = array<i64: 2000, 128>}, {pipeline_mode = #tpu.pipeline_mode<synchronous>, transform_indices = @transform_1, window_bounds = array<i64: 128, 128>}, {pipeline_mode = #tpu.pipeline_mode<synchronous>, transform_indices = @transform_2, window_bounds = array<i64: 1, 128>}, {pipeline_mode = #tpu.pipeline_mode<synchronous>, transform_indices = @transform_3, window_bounds = array<i64: 1, 128>}, {pipeline_mode = #tpu.pipeline_mode<synchronous>, transform_indices = @transform_4, window_bounds = array<i64: 8, 128>}, {transform_indices = @transform_5, window_bounds = array<i64: 4>}, {transform_indices = @transform_6, window_bounds = array<i64: 2000, 128>}, {transform_indices = @transform_7, window_bounds = array<i64: 2000, 128>}, {transform_indices = @transform_8, window_bounds = array<i64: 2000, 8>}, {transform_indices = @transform_9, window_bounds = array<i64: 2000, 128>}]} {
    %get3A = arith.constant 0 : index
    %get3A_0 = arith.constant 0 : index
    %get3A_1 = vector.load %arg1[%get3A, %get3A_0] : memref<2000x128xf32, #tpu.memory_space<vmem>>, vector<2000x128xf32>
    %get3A_2 = arith.constant 0 : index
    %get3A_3 = arith.constant 0 : index
    %get3A_4 = vector.load %arg2[%get3A_2, %get3A_3] : memref<128x128xf32, #tpu.memory_space<vmem>>, vector<128x128xf32>
    %dot_general3A = arith.constant dense<0.000000e+00> : vector<2000x128xf32>
    %dot_general3A_5 = tpu.matmul %get3A_1, %get3A_4, %dot_general3A {dimension_numbers = #tpu.dot_dimension_numbers<[1], [1], [0], [0], [0, 0, 1, 0], [], []>, transpose_lhs_hint = false} : vector<2000x128xf32>, vector<128x128xf32>, vector<2000x128xf32> -> vector<2000x128xf32>
    %get3A_6 = arith.constant 0 : index
    %get3A_7 = arith.constant 0 : index
    %get3A_8 = vector.load %arg3[%get3A_6, %get3A_7] : memref<1x128xf32, #tpu.memory_space<vmem>>, vector<1x128xf32>
    %add3A = vector.broadcast %get3A_8 : vector<1x128xf32> to vector<2000x128xf32>
    %add3A_9 = arith.addf %dot_general3A_5, %add3A : vector<2000x128xf32>
    %swap3A = arith.constant 0 : index
    %swap3A_10 = arith.constant 0 : index
    %swap3A_11 = vector.load %arg7[%swap3A, %swap3A_10] : memref<2000x128xf32, #tpu.memory_space<vmem>>, vector<2000x128xf32>
    tpu.vector_store %arg7[%swap3A, %swap3A_10], %add3A_9 {strides = array<i32>} : memref<2000x128xf32, #tpu.memory_space<vmem>>, vector<2000x128xf32>,
    %get3A_12 = arith.constant 0 : index
    %get3A_13 = arith.constant 0 : index
    %get3A_14 = vector.load %arg4[%get3A_12, %get3A_13] : memref<1x128xf32, #tpu.memory_space<vmem>>, vector<1x128xf32>
    %mul3A = vector.broadcast %get3A_14 : vector<1x128xf32> to vector<2000x128xf32>
    %mul3A_15 = arith.mulf %add3A_9, %mul3A : vector<2000x128xf32>
    %reduce_sum3A = arith.constant dense<0.000000e+00> : vector<2000xf32>
    %reduce_sum3A_16 = vector.multi_reduction <add>, %mul3A_15, %reduce_sum3A [1] : vector<2000x128xf32> to vector<2000xf32>
    %broadcast_in_dim3A = vector.shape_cast %reduce_sum3A_16 : vector<2000xf32> to vector<2000x1xf32>
    %get3A_17 = arith.constant 0 : index
    %get3A_18 = memref.load %arg6[%get3A_17] : memref<4xf32, #tpu.memory_space<smem>>
    %add3A_19 = vector.broadcast %get3A_18 : f32 to vector<2000x1xf32>
    %add3A_20 = arith.addf %broadcast_in_dim3A, %add3A_19 : vector<2000x1xf32>
    %get3A_21 = arith.constant 1 : index
    %get3A_22 = memref.load %arg6[%get3A_21] : memref<4xf32, #tpu.memory_space<smem>>
    %mul3A_23 = vector.broadcast %get3A_22 : f32 to vector<2000x1xf32>
    %mul3A_24 = arith.mulf %mul3A_23, %add3A_20 : vector<2000x1xf32>
    %exp3A = math.exp %mul3A_24 : vector<2000x1xf32>
    %mul3A_25 = vector.broadcast %exp3A : vector<2000x1xf32> to vector<2000x128xf32>
    %mul3A_26 = arith.mulf %mul3A_25, %add3A_9 : vector<2000x128xf32>
    %swap3A_27 = arith.constant 0 : index
    %swap3A_28 = arith.constant 0 : index
    %swap3A_29 = vector.load %arg8[%swap3A_27, %swap3A_28] : memref<2000x128xf32, #tpu.memory_space<vmem>>, vector<2000x128xf32>
    tpu.vector_store %arg8[%swap3A_27, %swap3A_28], %mul3A_26 {strides = array<i32>} : memref<2000x128xf32, #tpu.memory_space<vmem>>, vector<2000x128xf32>,
    %broadcast_in_dim3A_30 = vector.shape_cast %exp3A : vector<2000x1xf32> to vector<2000x1xf32>
    %broadcast_in_dim3A_31 = vector.broadcast %broadcast_in_dim3A_30 : vector<2000x1xf32> to vector<2000x8xf32>
    %swap3A_32 = arith.constant 0 : index
    %swap3A_33 = arith.constant 0 : index
    %swap3A_34 = vector.load %arg9[%swap3A_32, %swap3A_33] : memref<2000x8xf32, #tpu.memory_space<vmem>>, vector<2000x8xf32>
    tpu.vector_store %arg9[%swap3A_32, %swap3A_33], %broadcast_in_dim3A_31 {strides = array<i32>} : memref<2000x8xf32, #tpu.memory_space<vmem>>, vector<2000x8xf32>,
    %get3A_35 = arith.constant 0 : index
    %get3A_36 = arith.constant 0 : index
    %get3A_37 = vector.load %arg5[%get3A_35, %get3A_36] : memref<8x128xf32, #tpu.memory_space<vmem>>, vector<1x128xf32>
    %get3A_38 = arith.constant 1 : index
    %get3A_39 = arith.constant 0 : index
    %get3A_40 = vector.load %arg5[%get3A_38, %get3A_39] : memref<8x128xf32, #tpu.memory_space<vmem>>, vector<1x128xf32>
    %sub3A = arith.subf %get3A_37, %get3A_40 : vector<1x128xf32>
    %mul3A_41 = vector.broadcast %sub3A : vector<1x128xf32> to vector<2000x128xf32>
    %mul3A_42 = arith.mulf %get3A_1, %mul3A_41 : vector<2000x128xf32>
    %reduce_sum3A_43 = arith.constant dense<0.000000e+00> : vector<2000xf32>
    %reduce_sum3A_44 = vector.multi_reduction <add>, %mul3A_42, %reduce_sum3A_43 [1] : vector<2000x128xf32> to vector<2000xf32>
    %broadcast_in_dim3A_45 = vector.shape_cast %reduce_sum3A_44 : vector<2000xf32> to vector<2000x1xf32>
    %get3A_46 = arith.constant 2 : index
    %get3A_47 = memref.load %arg6[%get3A_46] : memref<4xf32, #tpu.memory_space<smem>>
    %get3A_48 = arith.constant 3 : index
    %get3A_49 = memref.load %arg6[%get3A_48] : memref<4xf32, #tpu.memory_space<smem>>
    %sub3A_50 = arith.subf %get3A_47, %get3A_49 : f32
    %add3A_51 = vector.broadcast %sub3A_50 : f32 to vector<2000x1xf32>
    %add3A_52 = arith.addf %broadcast_in_dim3A_45, %add3A_51 : vector<2000x1xf32>
    %neg3A = arith.constant 0.000000e+00 : f32
    %neg3A_53 = vector.broadcast %neg3A : f32 to vector<2000x1xf32>
    %neg3A_54 = arith.subf %neg3A_53, %add3A_52 : vector<2000x1xf32>
    %exp3A_55 = math.exp %neg3A_54 : vector<2000x1xf32>
    %add3A_56 = arith.constant 1.000000e+00 : f32
    %add3A_57 = vector.broadcast %add3A_56 : f32 to vector<2000x1xf32>
    %add3A_58 = arith.addf %add3A_57, %exp3A_55 : vector<2000x1xf32>
    %div3A = arith.constant 1.000000e+00 : f32
    %div3A_59 = vector.broadcast %div3A : f32 to vector<2000x1xf32>
    %div3A_60 = arith.divf %div3A_59, %add3A_58 : vector<2000x1xf32>
    %broadcast_in_dim3A_61 = vector.shape_cast %div3A_60 : vector<2000x1xf32> to vector<2000x1xf32>
    %broadcast_in_dim3A_62 = vector.broadcast %broadcast_in_dim3A_61 : vector<2000x1xf32> to vector<2000x128xf32>
    %swap3A_63 = arith.constant 0 : index
    %swap3A_64 = arith.constant 0 : index
    %swap3A_65 = vector.load %arg10[%swap3A_63, %swap3A_64] : memref<2000x128xf32, #tpu.memory_space<vmem>>, vector<2000x128xf32>
    tpu.vector_store %arg10[%swap3A_63, %swap3A_64], %broadcast_in_dim3A_62 {strides = array<i32>} : memref<2000x128xf32, #tpu.memory_space<vmem>>, vector<2000x128xf32>,
    return
  }
  func.func @transform_0(%arg0: i32) -> (i32, i32) {
    %c0_i32 = arith.constant 0 : i32
    %c0_i32_0 = arith.constant 0 : i32
    return %arg0, %c0_i32 : i32, i32
  }
  func.func @transform_1(%arg0: i32) -> (i32, i32) {
    %c0_i32 = arith.constant 0 : i32
    %c0_i32_0 = arith.constant 0 : i32
    %c0_i32_1 = arith.constant 0 : i32
    return %c0_i32, %c0_i32_0 : i32, i32
  }
  func.func @transform_2(%arg0: i32) -> (i32, i32) {
    %c0_i32 = arith.constant 0 : i32
    %c0_i32_0 = arith.constant 0 : i32
    %c0_i32_1 = arith.constant 0 : i32
    return %c0_i32, %c0_i32_0 : i32, i32
  }
  func.func @transform_3(%arg0: i32) -> (i32, i32) {
    %c0_i32 = arith.constant 0 : i32
    %c0_i32_0 = arith.constant 0 : i32
    %c0_i32_1 = arith.constant 0 : i32
    return %c0_i32, %c0_i32_0 : i32, i32
  }
  func.func @transform_4(%arg0: i32) -> (i32, i32) {
    %c0_i32 = arith.constant 0 : i32
    %c0_i32_0 = arith.constant 0 : i32
    %c0_i32_1 = arith.constant 0 : i32
    return %c0_i32, %c0_i32_0 : i32, i32
  }
  func.func @transform_5(%arg0: i32) -> i32 {
    %c0_i32 = arith.constant 0 : i32
    %c0_i32_0 = arith.constant 0 : i32
    return %c0_i32 : i32
  }
  func.func @transform_6(%arg0: i32) -> (i32, i32) {
    %c0_i32 = arith.constant 0 : i32
    %c0_i32_0 = arith.constant 0 : i32
    return %arg0, %c0_i32 : i32, i32
  }
  func.func @transform_7(%arg0: i32) -> (i32, i32) {
    %c0_i32 = arith.constant 0 : i32
    %c0_i32_0 = arith.constant 0 : i32
    return %arg0, %c0_i32 : i32, i32
  }
  func.func @transform_8(%arg0: i32) -> (i32, i32) {
    %c0_i32 = arith.constant 0 : i32
    %c0_i32_0 = arith.constant 0 : i32
    return %arg0, %c0_i32 : i32, i32
  }
  func.func @transform_9(%arg0: i32) -> (i32, i32) {
    %c0_i32 = arith.constant 0 : i32
    %c0_i32_0 = arith.constant 0 : i32
    return %arg0, %c0_i32 : i32, i32
  }
}

module attributes {stable_mosaic.version = 14 : i64} {
  func.func @_combine_body(%arg0: i32, %arg1: memref<2000x128xf32, #tpu.memory_space<vmem>>, %arg2: memref<2000x128xf32, #tpu.memory_space<vmem>>, %arg3: memref<2000x128xf32, #tpu.memory_space<vmem>>, %arg4: memref<2000x128xf32, #tpu.memory_space<vmem>>, %arg5: memref<2000x128xf32, #tpu.memory_space<vmem>>, %arg6: memref<2000x128xf32, #tpu.memory_space<vmem>>, %arg7: memref<2000x128xf32, #tpu.memory_space<vmem>>) attributes {dimension_semantics = [#tpu.dimension_semantics<arbitrary>], iteration_bounds = array<i64: 5>, scalar_prefetch = 0 : i64, scratch_operands = 0 : i64, tpu.core_type = #tpu.core_type<tc>, window_params = [{transform_indices = @transform_0, window_bounds = array<i64: 2000, 128>}, {transform_indices = @transform_1, window_bounds = array<i64: 2000, 128>}, {transform_indices = @transform_2, window_bounds = array<i64: 2000, 128>}, {transform_indices = @transform_3, window_bounds = array<i64: 2000, 128>}, {transform_indices = @transform_4, window_bounds = array<i64: 2000, 128>}, {transform_indices = @transform_5, window_bounds = array<i64: 2000, 128>}, {transform_indices = @transform_6, window_bounds = array<i64: 2000, 128>}]} {
    %get3A = arith.constant 0 : index
    %get3A_0 = arith.constant 0 : index
    %get3A_1 = vector.load %arg3[%get3A, %get3A_0] : memref<2000x128xf32, #tpu.memory_space<vmem>>, vector<2000x1xf32>
    %get3A_2 = arith.constant 0 : index
    %get3A_3 = arith.constant 0 : index
    %get3A_4 = vector.load %arg4[%get3A_2, %get3A_3] : memref<2000x128xf32, #tpu.memory_space<vmem>>, vector<2000x1xf32>
    %add3A = arith.addf %get3A_1, %get3A_4 : vector<2000x1xf32>
    %get3A_5 = arith.constant 0 : index
    %get3A_6 = arith.constant 0 : index
    %get3A_7 = vector.load %arg1[%get3A_5, %get3A_6] : memref<2000x128xf32, #tpu.memory_space<vmem>>, vector<2000x128xf32>
    %get3A_8 = arith.constant 0 : index
    %get3A_9 = arith.constant 0 : index
    %get3A_10 = vector.load %arg2[%get3A_8, %get3A_9] : memref<2000x128xf32, #tpu.memory_space<vmem>>, vector<2000x128xf32>
    %add3A_11 = arith.addf %get3A_7, %get3A_10 : vector<2000x128xf32>
    %max3A = arith.constant 1.000000e-16 : f32
    %max3A_12 = vector.broadcast %max3A : f32 to vector<2000x1xf32>
    %max3A_13 = arith.maximumf %add3A, %max3A_12 : vector<2000x1xf32>
    %div3A = vector.broadcast %max3A_13 : vector<2000x1xf32> to vector<2000x128xf32>
    %div3A_14 = arith.divf %add3A_11, %div3A : vector<2000x128xf32>
    %get3A_15 = arith.constant 0 : index
    %get3A_16 = arith.constant 0 : index
    %get3A_17 = vector.load %arg6[%get3A_15, %get3A_16] : memref<2000x128xf32, #tpu.memory_space<vmem>>, vector<2000x1xf32>
    %mul3A = vector.broadcast %get3A_17 : vector<2000x1xf32> to vector<2000x128xf32>
    %mul3A_18 = arith.mulf %mul3A, %div3A_14 : vector<2000x128xf32>
    %sub3A = arith.constant 1.000000e+00 : f32
    %sub3A_19 = vector.broadcast %sub3A : f32 to vector<2000x1xf32>
    %sub3A_20 = arith.subf %sub3A_19, %get3A_17 : vector<2000x1xf32>
    %get3A_21 = arith.constant 0 : index
    %get3A_22 = arith.constant 0 : index
    %get3A_23 = vector.load %arg5[%get3A_21, %get3A_22] : memref<2000x128xf32, #tpu.memory_space<vmem>>, vector<2000x128xf32>
    %mul3A_24 = vector.broadcast %sub3A_20 : vector<2000x1xf32> to vector<2000x128xf32>
    %mul3A_25 = arith.mulf %mul3A_24, %get3A_23 : vector<2000x128xf32>
    %add3A_26 = arith.addf %mul3A_18, %mul3A_25 : vector<2000x128xf32>
    %max3A_27 = arith.constant 0.000000e+00 : f32
    %max3A_28 = vector.broadcast %max3A_27 : f32 to vector<2000x128xf32>
    %max3A_29 = arith.maximumf %add3A_26, %max3A_28 : vector<2000x128xf32>
    %swap3A = arith.constant 0 : index
    %swap3A_30 = arith.constant 0 : index
    %swap3A_31 = vector.load %arg7[%swap3A, %swap3A_30] : memref<2000x128xf32, #tpu.memory_space<vmem>>, vector<2000x128xf32>
    tpu.vector_store %arg7[%swap3A, %swap3A_30], %max3A_29 {strides = array<i32>} : memref<2000x128xf32, #tpu.memory_space<vmem>>, vector<2000x128xf32>,
    return
  }
  func.func @transform_0(%arg0: i32) -> (i32, i32) {
    %c0_i32 = arith.constant 0 : i32
    %c0_i32_0 = arith.constant 0 : i32
    return %arg0, %c0_i32 : i32, i32
  }
  func.func @transform_1(%arg0: i32) -> (i32, i32) {
    %c0_i32 = arith.constant 0 : i32
    %c0_i32_0 = arith.constant 0 : i32
    return %arg0, %c0_i32 : i32, i32
  }
  func.func @transform_2(%arg0: i32) -> (i32, i32) {
    %c0_i32 = arith.constant 0 : i32
    %c0_i32_0 = arith.constant 0 : i32
    return %arg0, %c0_i32 : i32, i32
  }
  func.func @transform_3(%arg0: i32) -> (i32, i32) {
    %c0_i32 = arith.constant 0 : i32
    %c0_i32_0 = arith.constant 0 : i32
    return %arg0, %c0_i32 : i32, i32
  }
  func.func @transform_4(%arg0: i32) -> (i32, i32) {
    %c0_i32 = arith.constant 0 : i32
    %c0_i32_0 = arith.constant 0 : i32
    return %arg0, %c0_i32 : i32, i32
  }
  func.func @transform_5(%arg0: i32) -> (i32, i32) {
    %c0_i32 = arith.constant 0 : i32
    %c0_i32_0 = arith.constant 0 : i32
    return %arg0, %c0_i32 : i32, i32
  }
  func.func @transform_6(%arg0: i32) -> (i32, i32) {
    %c0_i32 = arith.constant 0 : i32
    %c0_i32_0 = arith.constant 0 : i32
    return %arg0, %c0_i32 : i32, i32
  }
}

</mosaic_0001>

<sc_bundles>
// kernel: kernel.5.cloned.1.call-start
scs
__scs_entry_jumppad:
0x0: {  	(pc) =	sbr.rel $0x88, $3  }
0x1: {  	(tag) =	ssettag $0x0;
	lr =	simm.s32 $0x1  }
0x2: {  	[smem:$0x3F98] =	sst lr;
	_ =	strace $0xD0000000  }
0x3: {  	_ = 	snop  }
0x4: {  	_ = 	snop  }
0x5: {  	_ = 	snop  }
0x6: {  	_ = 	snop  }
0x7: {  	_ = 	snop  }
__scs_overlays_trampoline_lowered:
0x8: {  	[smem:$0x3FA7] =	sst s0  }
0x9: {  	[smem:$0x3FA8] =	sst s1  }
0xa: {  	[smem:$0x3FA9] =	sst s2  }
0xb: {  	[smem:$0x3FAA] =	sst s3  }
0xc: {  	[smem:$0x3FAB] =	sst s4  }
0xd: {  	[smem:$0x3FAC] =	sst s5  }
0xe: {  	[smem:$0x3FAD] =	sst s6  }
0xf: {  	[smem:$0x3FAE] =	sst s7  }
0x10: {  	[smem:$0x3FAF] =	sst s8  }
0x11: {  	[smem:$0x3FB0] =	sst s9;
	s0 =	simm.s32 @!p0 $0x0  }
0x12: {  	s1 =	sld [smem:$0x3F96];
	s0 =	simm.s32 @p0 $0x1  }
0x13: {  	[smem:$0x3FB1] =	sst s0;
	s0 =	simm.s32 @!p1 $0x0  }
0x14: {  	s2 =	sld [smem:$0x3F95];
	s0 =	simm.s32 @p1 $0x1  }
0x15: {  	[smem:$0x3FB2] =	sst s0;
	s0 =	simm.s32 @!p2 $0x0  }
0x16: {  	s3 =	sld [smem:$0x3FDB];
	s0 =	simm.s32 @p2 $0x1  }
0x17: {  	s4 =	simm.s32 $0x1BF5;
	[smem:$0x3FB4] =	sst s0  }
0x18: {  	s0 =	sld [smem:$0x3F97];
	_ =	swait.ge [sflag:s4], $0x0  }
0x19: {  	s7 =	sld [smem:$0x3F98]  }
0x1a: {  	s8 =	sadd.s32 $0xFFFFE003, lr  }
0x1b: {  	s9 =	sadd.s32 $0xFFFFFEF7, lr;
	s5 =	simm.s32 $0xFFFFFFFF;
	p2 =	slt.u32 s8, $0xFFFFF086  }
0x1c: {  	p1 =	slt.u32 s9, $0xF7A;
	s5 =	simm.s32 @!p2 $0x0  }
0x1d: {  	s5 =	simm.s32 @p1 $0x1;
	p0 =	seq.s32 s7, s2  }
0x1e: {  	s7 =	smul.u32 @!p0 $0xF7A, s2;
	p2 =	seq.s32 @!p0 s5, $0x0  }
0x1f: {  	s9 =	smul.u32 $0xF7A, s1;
	s8 =	simm.s32 @!p0 $0x1BF5;
	p2 =	por !p2, p0  }
0x20: {  	[sflag:s8] =	ssyncset.s32 @!p0 $0xFFFFF086;
	s6 =	sadd.s32 @!p0 s3, s7;
	s7 =	simm.s32 @!p0 $0x108  }
0x21: {  	s3 =	sadd.s32 s3, s9;
	s6 =	sadd.s32 @!p0 $0x88, s6;
	s7 =	simm.s32 @p2 $0x1082  }
0x22: {  	[simem:s7], [sflag:s8] =	dma.local @!p0 [hbm:s6], $0xF7A  }
0x23: {  	s9 =	sor.u32 $0xD0000000, s2;
	s6 =	simm.s32 $0x108;
	_ =	swait.ge @!p0 [sflag:s8], $0x0  }
0x24: {  	s3 =	sadd.s32 $0x88, s3;
	s6 =	simm.s32 @!p1 $0x1082;
	[sflag:s4] =	ssyncset.s32 $0xFFFFF086  }
0x25: {  	[simem:s6], [sflag:s4] =	dma.local [hbm:s3], $0xF7A  }
0x26: {  	[smem:$0x3F98] =	sst s1;
	(tag) =	ssettag s2;
	_ =	strace s9  }
0x27: {  	s1 =	sld [smem:$0x3FA8]  }
0x28: {  	s2 =	sld [smem:$0x3FA9]  }
0x29: {  	s4 =	sld [smem:$0x3FAB]  }
0x2a: {  	p0 =	seq.s32 s5, $0x0;
	s5 =	sld [smem:$0x3FAC]  }
0x2b: {  	s6 =	sld [smem:$0x3FAD]  }
0x2c: {  	s7 =	sld [smem:$0x3FAE]  }
0x2d: {  	s3 =	simm.s32 $0x108;
	s8 =	sld [smem:$0x3FAF]  }
0x2e: {  	s3 =	simm.s32 @!p0 $0x1082;
	s9 =	sld [smem:$0x3FB0]  }
0x2f: {  	lr =	sadd.s32 s0, s3;
	s0 =	sld [smem:$0x3FA7]  }
0x30: {  	s3 =	sld [smem:$0x3FAA]  }
0x31: {  	[smem:$0x3FB3] =	sst s10  }
0x32: {  	s10 =	sld [smem:$0x3FB1];
	_ =	sdelay $0x3  }
0x33: {  	p0 =	seq.s32 s10, $0x1;
	s10 =	sld [smem:$0x3FB3];
	_ =	sdelay $0x3  }
0x34: {  	[smem:$0x3FB3] =	sst s10  }
0x35: {  	s10 =	sld [smem:$0x3FB2];
	_ =	sdelay $0x3  }
0x36: {  	p1 =	seq.s32 s10, $0x1;
	s10 =	sld [smem:$0x3FB3];
	_ =	sdelay $0x3  }
0x37: {  	[smem:$0x3FB3] =	sst s10  }
0x38: {  	s10 =	sld [smem:$0x3FB4]  }
0x39: {  	_ = 	snop;
	(pc) =	sbr.ind lr, $3  }
0x3a: {  	_ = 	snop  }
0x3b: {  	_ = 	snop  }
0x3c: {  	p2 =	seq.s32 s10, $0x1;
	s10 =	sld [smem:$0x3FB3]  }
0x3d: {  	_ =	shalt  }
0x3e: {  	_ =	shalt  }
0x3f: {  	_ =	shalt  }
0x40: {  	_ =	shalt  }
0x41: {  	_ =	shalt  }
0x42: {  	_ =	shalt  }
0x43: {  	_ =	shalt  }
0x44: {  	_ =	shalt  }
0x45: {  	_ =	shalt  }
0x46: {  	_ =	shalt  }
0x47: {  	_ =	shalt  }
0x48: {  	_ =	shalt  }
0x49: {  	_ =	shalt  }
0x4a: {  	_ =	shalt  }
0x4b: {  	_ =	shalt  }
0x4c: {  	_ =	shalt  }
0x4d: {  	_ =	shalt  }
0x4e: {  	_ =	shalt  }
0x4f: {  	_ =	shalt  }
0x50: {  	_ =	shalt  }
0x51: {  	_ =	shalt  }
0x52: {  	_ =	shalt  }
0x53: {  	_ =	shalt  }
0x54: {  	_ =	shalt  }
0x55: {  	_ =	shalt  }
0x56: {  	_ =	shalt  }
0x57: {  	_ =	shalt  }
0x58: {  	_ =	shalt  }
0x59: {  	_ =	shalt  }
0x5a: {  	_ =	shalt  }
0x5b: {  	_ =	shalt  }
0x5c: {  	_ =	shalt  }
0x5d: {  	_ =	shalt  }
0x5e: {  	_ =	shalt  }
0x5f: {  	_ =	shalt  }
0x60: {  	_ =	shalt  }
0x61: {  	_ =	shalt  }
0x62: {  	_ =	shalt  }
0x63: {  	_ =	shalt  }
0x64: {  	_ =	shalt  }
0x65: {  	_ =	shalt  }
0x66: {  	_ =	shalt  }
0x67: {  	_ =	shalt  }
0x68: {  	_ =	shalt  }
0x69: {  	_ =	shalt  }
0x6a: {  	_ =	shalt  }
0x6b: {  	_ =	shalt  }
0x6c: {  	_ =	shalt  }
0x6d: {  	_ =	shalt  }
0x6e: {  	_ =	shalt  }
0x6f: {  	_ =	shalt  }
0x70: {  	_ =	shalt  }
0x71: {  	_ =	shalt  }
0x72: {  	_ =	shalt  }
0x73: {  	_ =	shalt  }
0x74: {  	_ =	shalt  }
0x75: {  	_ =	shalt  }
0x76: {  	_ =	shalt  }
0x77: {  	_ =	shalt  }
0x78: {  	_ =	shalt  }
0x79: {  	_ =	shalt  }
0x7a: {  	_ =	shalt  }
0x7b: {  	_ =	shalt  }
0x7c: {  	_ =	shalt  }
0x7d: {  	_ =	shalt  }
0x7e: {  	_ =	shalt  }
0x7f: {  	_ =	shalt  }
0x80: {  	_ =	shalt  }
0x81: {  	_ =	shalt  }
0x82: {  	_ =	shalt  }
0x83: {  	_ =	shalt  }
0x84: {  	_ =	shalt  }
0x85: {  	_ =	shalt  }
0x86: {  	_ =	shalt  }
0x87: {  	_ =	shalt  }
.Lfunc_end0:
.L_simem_size_0:
called_computation_lowered:
.L_overlay_start_0:
0x88: {  	s2 =	sld [smem:$0x3FD9]  }
0x89: {  	s3 =	sld [smem:$0x3FFE];
	_ =	sdelay $0x1  }
0x8a: {  	s1 =	srdreg.scid  }
0x8b: {  	s0 =	sand.u32 $0x1, s1  }
0x8c: {  	s17 =	sshll.u32 s0, $0xA;
	s2 =	sadd.s32 s3, s2  }
0x8d: {  	s2 =	sadd.s32 s2, s17  }
0x8e: {  	[smem:$0x3FBF] =	sst s2  }
0x8f: {  	_ = 	snop  }
0x90: {  	s2 =	sld [smem:$0x3FD0];
	(tm) =	ssettm $0x1  }
0x91: {  	s18 =	sld [smem:$0x3FFB];
	_ =	sdelay $0x3  }
0x92: {  	_ =	strace s18  }
0x93: {  	s3 =	sld [smem:$0x3FFC];
	_ =	sdelay $0x3  }
0x94: {  	_ =	strace s3  }
0x95: {  	s3 =	sld [smem:$0x3FFD];
	_ =	sdelay $0x3  }
0x96: {  	_ =	strace s3  }
0x97: {  	_ =	strace $0x8FFFFFFF  }
0x98: {  	s19 =	sld [smem:$0x3FDB];
	_ =	sdelay $0x1  }
0x99: {  	s4 =	simm.s32 $_scs_section_size  }
0x9a: {  	s5 =	simm.s32 $_size__tile_overlayer_lowered;
	s6 =	simm.s32 $_tile_overlayer_lowered  }
0x9b: {  	s22 =	simm.s32 $0x1BFF;
	s21 =	sshll.u32 s6, $0x1;
	s3 =	sadd.s32 s4, s19  }
0x9c: {  	s7 =	simm.s32 $0x0;
	s20 =	sshll.u32 s5, $0x1;
	s5 =	sadd.s32 s21, s3  }
0x9d: {  	[timem:s7], [sflag:s22] =	dma.local [hbm:s5], s20  }
0x9e: {  	_ =	swait.ge [sflag:s22], s20  }
0x9f: {  	s4 =	ssub.s32 $0x0, s20;
	[sflag:s22] =	ssyncset.done $0x0  }
0xa0: {  	[sflag:s22] =	ssyncadd.s32 s4;
	_ =	sdelay $0x1  }
0xa1: {  	s23 =	simm.s32 $0x1B8B  }
0xa2: {  	_ =	swait.ge [sflag:s23], $0x1  }
0xa3: {  	[sflag:s23] =	ssyncset.done $0x0  }
0xa4: {  	s25 =	simm.s32 $0x1B8E;
	s24 =	sld [smem:$0x3FFE];
	[sflag:s23] =	ssyncadd.s32 $0xFFFFFFFF  }
0xa5: {  	s26 =	simm.s32 $execute0_lowered;
	[smem:$0x3FD2] =	sst s25  }
0xa6: {  	s5 =	sshll.u32 s26, $0x1;
	_ =	strace $0x80000046;
	[dreg:$0x1] =	wrdreg $0xFFFFFFFF  }
0xa7: {  	s28 =	simm.s32 $_size_execute0_lowered;
	s3 =	sadd.s32 s3, s5;
	[dreg:$0x0] =	wrdreg $0x0  }
0xa8: {  	s5 =	sshll.u32 s28, $0x1;
	[dreg:$0x2] =	wrdreg s3  }
0xa9: {  	[dreg:$0x3] =	wrdreg s5  }
0xaa: {  	[dreg:$0x4] =	wrdreg $0xC0  }
0xab: {  	_ =	task [dreg:s7], $0x5FFFF  }
0xac: {  	[dreg:$0x1] =	wrdreg $0xFFFFFFFF  }
0xad: {  	[dreg:$0x0] =	wrdreg $0x60  }
0xae: {  	[dreg:$0x2] =	wrdreg s2  }
0xaf: {  	[dreg:$0x3] =	wrdreg s24  }
0xb0: {  	[dreg:$0x4] =	wrdreg $0xA3200  }
0xb1: {  	[dreg:$0x5] =	wrdreg $0x1DF200  }
0xb2: {  	[dreg:$0x6] =	wrdreg $0x9  }
0xb3: {  	_ =	task.clear_ibuf [dreg:s7], $0x7FFFF;
	_ =	strace $0x90000046  }
0xb4: {  	s29 =	simm.s32 $0x9;
	_ =	strace $0x80000048  }
0xb5: {  	_ =	swait.ge [sflag:s29], $0x1  }
0xb6: {  	[sflag:s29] =	ssyncadd.s32 $0xFFFFFFFF  }
0xb7: {  	_ =	strace $0x90000048  }
0xb8: {  	_ =	sfence  }
0xb9: {  	s30 =	sld [smem:$0x0];
	_ =	sdelay $0x2  }
0xba: {  	s31 =	sshll.u32 s1, $0xD;
	s1 =	sshrl.u32 s1, $0x2  }
0xbb: {  	s3 =	sand.u32 $0x4000, s31;
	s1 =	sadd.s32 s1, s30  }
0xbc: {  	s0 =	sor.u32 s3, s0;
	s1 =	sshll.u32 s1, $0x11  }
0xbd: {  	s0 =	sor.u32 s1, s0  }
0xbe: {  	s0 =	sadd.s32 $0x8F2B, s0  }
0xbf: {  	[sflag:s0] =	ssyncadd.remote.s32 $0x1  }
0xc0: {  	_ =	sfence.sel $0xFFFF  }
0xc1: {  	[dreg:$0x0] =	wrdreg $0xFFFFFFFF;
	(pc) =	sbr.abs _section_cstart, $3  }
0xc2: {  	[dreg:$0x1] =	wrdreg $0xFFFFFFFF  }
0xc3: {  	_ =	task.clear_ibuf [dreg:s7], $0x2FFFF;
	_ =	strace $0x9FFFFFFF  }
0xc4: {  	(tm) =	ssettm $0x7FFFFFFF  }
0xc5: {  	_ =	shalt  }
tec
execute0_lowered:
.L_overlay_start_1:
0x0: {  	(tag) =	ssettag $0x1  }
0x1: {  	s0 =	rddreg [dreg:$0x0]  }
0x2: {  	s2 =	rddreg [dreg:$0x1]  }
0x3: {  	s1 =	srdreg.scid;
	s3 =	rddreg [dreg:$0x2]  }
0x4: {  	s8 =	stileid.u32;
	s4 =	rddreg [dreg:$0x3]  }
0x5: {  	s19 =	simm.s32 $0x50;
	s20 =	simm.s32 $0x4E20;
	s21 =	simm.s32 $0x9E20  }
0x6: {  	s22 =	simm.s32 $0x1;
	s28 =	simm.s32 $0x4;
	s29 =	simm.s32 $0x26C0  }
0x7: {  	s30 =	simm.s32 $0x4D80;
	s31 =	simm.s32 $0x4DD0;
	s1 =	sand.u32 $0x1, s1  }
0x8: {  	s9 =	sadd.s32 $0x18000, s2;
	s23 =	sadd.s32 $0x17C00, s2;
	s13 =	sadd.s32 $0x1A800, s2  }
0x9: {  	s12 =	sadd.s32 $0x42000, s2;
	s14 =	sadd.s32 $0x69800, s2;
	s10 =	smul.u32 $0x4F00, s8  }
0xa: {  	s15 =	smul.u32 $0x13C00, s8;
	s25 =	sshll.u32 s8, $0x6;
	s5 =	sshll.u32 s1, $0x4  }
0xb: {  	s24 =	ssub.s32 $0x2, s1;
	p0 =	seq.s32 s1, $0x1;
	s1 =	simm.s32 $0x0  }
0xc: {  	s6 =	sor.u32 s8, s5;
	s5 =	simm.s32 $0x0;
	s11 =	sshrl.u32 s24, $0x1  }
0xd: {  	s10 =	sshrl.u32 s10, $0x2;
	s17 =	sadd.s32 s15, s3;
	s26 =	sshrl.u32 s15, $0x3  }
0xe: {  	s13 =	smov.u32 @p0 s12;
	s6 =	smul.u32 $0x2710, s6;
	[smem:$0x7FF] =	sst s5  }
0xf: {  	s16 =	ssub.s32 s24, s11;
	s18 =	sadd.s32 s10, s4;
	s13 =	sadd.s32 s13, s26  }
0x10: {  	s15 =	sshrl.u32 s17, $0x3;
	_ =	strace $0x80000047;
	[dreg:$0x5] =	wrdreg s9  }
0x11: {  	s24 =	simm.s32 $0xA0A0;
	[dreg:$0x6] =	wrdreg s23;
	s9 =	sor.u32 $0x1C05, s25  }
0x12: {  	s12 =	smax.u32 s16, $0x1;
	s16 =	simm.s32 $0x5;
	s17 =	sshrl.u32 s18, $0x3  }
0x13: {  	s18 =	simm.s32 $0x2710;
	s23 =	simm.s32 $0x7620;
	s7 =	sshrl.u32 s6, $0x3  }
0x14: {  	s6 =	sadd.s32 $0x15400, s2;
	s7 =	sadd.s32 s7, s2;
	s2 =	sadd.s32 $0x91000, s2  }
0x15: {  	s25 =	simm.s32 $0x3;
	s10 =	sadd.s32 $0xB640, s7;
	s14 =	smov.u32 @p0 s2  }
0x16: {  	s11 =	sadd.s32 $0x1A00, s7;
	s14 =	sadd.s32 s14, s26;
	s26 =	simm.s32 $0x2  }
.LBB2_1:
0x17: {  	s2 =	rddreg [dreg:$0x5]  }
0x18: {  	[spmem:s15], [sflag:s9] =	dma.local [hbm:s2], $0x2780  }
0x19: {  	_ =	swait.ge [sflag:s16], $0x2780  }
0x1a: {  	[sflag:s16] =	ssyncset.done $0x0  }
0x1b: {  	s7 =	rddreg [dreg:$0x6];
	[sflag:s16] =	ssyncadd.s32 $0xFFFFD880  }
0x1c: {  	[spmem:s17], [sflag:s9] =	dma.local [hbm:s7], $0x278  }
0x1d: {  	_ =	swait.ge [sflag:s16], $0x278  }
0x1e: {  	[sflag:s16] =	ssyncset.done $0x0  }
0x1f: {  	[sflag:s16] =	ssyncadd.s32 $0xFFFFFD88  }
0x20: {  	[tilespmem:s5], [sflag:$0x5] =	stream.linear.gather [hbm4b:s10+s5], $0x2710, $0x38;
	[tilespmem:$0x1F2E0] =	vst v63  }
0x21: {  	_ =	swait.ge [sflag:s16], $0x2710  }
0x22: {  	[sflag:s16] =	ssyncset.done $0x0  }
0x23: {  	[sflag:s16] =	ssyncadd.s32 $0xFFFFD8F0  }
0x24: {  	[tilespmem:s18], [sflag:$0x5] =	stream.linear.gather [hbm4b:s11+s5], $0x2710, $0x38;
	[tilespmem:$0x1F2E0] =	vst v63  }
0x25: {  	_ =	swait.ge [sflag:s16], $0x2710  }
0x26: {  	[sflag:s16] =	ssyncset.done $0x0  }
0x27: {  	[sflag:s16] =	ssyncadd.s32 $0xFFFFD8F0  }
0x28: {  	[tilespmem:s20], [sflag:$0x1] =	stream.indirect.gather [hbm4b:s0+s19], $0x80, s5, s19, $0xb8;
	[tilespmem:$0x1F2E0] =	vst v63  }
0x29: {  	_ = 	snop  }
0x2a: {  	[tilespmem:s21], [sflag:$0x1] =	stream.indirect.gather [hbm4b:s6+s19], $0x8, s5, s19, $0xb8;
	[tilespmem:$0x1F2E0] =	vst v63  }
0x2b: {  	_ =	swait.ge [sflag:s22], $0x2800  }
0x2c: {  	[sflag:s22] =	ssyncset.done $0x0  }
0x2d: {  	[sflag:s22] =	ssyncadd.s32 $0xFFFFD800  }
0x2e: {  	_ =	swait.ge [sflag:s22], $0x280  }
0x2f: {  	[sflag:s22] =	ssyncset.done $0x0  }
0x30: {  	[sflag:s22] =	ssyncadd.s32 $0xFFFFFD80  }
0x31: {  	[spmem:s3] =	stream.indirect.scatter.add.f32 [tilespmem:s20], [sflag:$0x3], $0x80, s18, s19, $0xb8;
	[tilespmem:$0x1F2E0] =	vst v63  }
0x32: {  	_ = 	snop  }
0x33: {  	[spmem:s4] =	stream.indirect.scatter.add.f32 [tilespmem:s21], [sflag:$0x3], $0x8, s18, s19, $0xb8;
	[tilespmem:$0x1F2E0] =	vst v63  }
0x34: {  	_ = 	snop  }
0x35: {  	[tilespmem:s23], [sflag:$0x2] =	stream.indirect.gather [hbm4b:s0+s19], $0x80, s19, s19, $0xb8;
	[tilespmem:$0x1F2E0] =	vst v63  }
0x36: {  	_ = 	snop  }
0x37: {  	[tilespmem:s24], [sflag:$0x2] =	stream.indirect.gather [hbm4b:s6+s19], $0x8, s19, s19, $0xb8;
	[tilespmem:$0x1F2E0] =	vst v63  }
0x38: {  	_ =	swait.ge [sflag:s25], $0x2800  }
0x39: {  	[sflag:s25] =	ssyncset.done $0x0  }
0x3a: {  	[sflag:s25] =	ssyncadd.s32 $0xFFFFD800  }
0x3b: {  	_ =	swait.ge [sflag:s25], $0x280  }
0x3c: {  	[sflag:s25] =	ssyncset.done $0x0  }
0x3d: {  	s8 =	simm.s32 $0xA0;
	[sflag:s25] =	ssyncadd.s32 $0xFFFFFD80  }
0x3e: {  	[tilespmem:s20], [sflag:$0x1] =	stream.indirect.gather [hbm4b:s0+s19], $0x80, s8, s19, $0xb8;
	[tilespmem:$0x1F2E0] =	vst v63  }
0x3f: {  	_ = 	snop  }
0x40: {  	[tilespmem:s21], [sflag:$0x1] =	stream.indirect.gather [hbm4b:s6+s19], $0x8, s8, s19, $0xb8;
	[tilespmem:$0x1F2E0] =	vst v63  }
0x41: {  	_ =	swait.ge [sflag:s26], $0x2800  }
0x42: {  	[sflag:s26] =	ssyncset.done $0x0  }
0x43: {  	[sflag:s26] =	ssyncadd.s32 $0xFFFFD800  }
0x44: {  	_ =	swait.ge [sflag:s26], $0x280  }
0x45: {  	[sflag:s26] =	ssyncset.done $0x0  }
0x46: {  	s7 =	simm.s32 $0x2760;
	[sflag:s26] =	ssyncadd.s32 $0xFFFFFD80  }
0x47: {  	[spmem:s3] =	stream.indirect.scatter.add.f32 [tilespmem:s23], [sflag:$0x4], $0x80, s7, s19, $0xb8;
	[tilespmem:$0x1F2E0] =	vst v63  }
0x48: {  	_ = 	snop  }
0x49: {  	[spmem:s4] =	stream.indirect.scatter.add.f32 [tilespmem:s24], [sflag:$0x4], $0x8, s7, s19, $0xb8;
	[tilespmem:$0x1F2E0] =	vst v63  }
0x4a: {  	_ =	swait.ge [sflag:s28], $0x2800  }
0x4b: {  	[sflag:s28] =	ssyncset.done $0x0  }
0x4c: {  	[sflag:s28] =	ssyncadd.s32 $0xFFFFD800  }
0x4d: {  	_ =	swait.ge [sflag:s28], $0x280  }
0x4e: {  	[sflag:s28] =	ssyncset.done $0x0  }
0x4f: {  	s8 =	simm.s32 $0xF0;
	[sflag:s28] =	ssyncadd.s32 $0xFFFFFD80  }
0x50: {  	[tilespmem:s23], [sflag:$0x2] =	stream.indirect.gather [hbm4b:s0+s19], $0x80, s8, s19, $0xb8;
	[tilespmem:$0x1F2E0] =	vst v63  }
0x51: {  	_ = 	snop  }
0x52: {  	[tilespmem:s24], [sflag:$0x2] =	stream.indirect.gather [hbm4b:s6+s19], $0x8, s8, s19, $0xb8;
	[tilespmem:$0x1F2E0] =	vst v63  }
0x53: {  	_ =	swait.ge [sflag:s22], $0x2800  }
0x54: {  	[sflag:s22] =	ssyncset.done $0x0  }
0x55: {  	[sflag:s22] =	ssyncadd.s32 $0xFFFFD800  }
0x56: {  	_ =	swait.ge [sflag:s22], $0x280  }
0x57: {  	[sflag:s22] =	ssyncset.done $0x0  }
0x58: {  	s2 =	simm.s32 $0xFFFF6A00;
	s7 =	simm.s32 $0x27B0;
	[sflag:s22] =	ssyncadd.s32 $0xFFFFFD80  }
0x59: {  	[spmem:s3] =	stream.indirect.scatter.add.f32 [tilespmem:s20], [sflag:$0x3], $0x80, s7, s19, $0xb8;
	[tilespmem:$0x1F2E0] =	vst v63  }
.LBB2_2:
0x5a: {  	[spmem:s4] =	stream.indirect.scatter.add.f32 [tilespmem:s21], [sflag:$0x3], $0x8, s7, s19, $0xb8;
	[tilespmem:$0x1F2E0] =	vst v63  }
0x5b: {  	s7 =	smov.u32 s2  }
0x5c: {  	p0 =	sne.s32 s2, $0xFFFFFD80;
	s2 =	sadd.s32 $0x280, s2;
	_ =	swait.ge [sflag:s25], $0x2800  }
0x5d: {  	[sflag:s25] =	ssyncset.done $0x0  }
0x5e: {  	[sflag:s25] =	ssyncadd.s32 $0xFFFFD800  }
0x5f: {  	_ =	swait.ge [sflag:s25], $0x280  }
0x60: {  	s7 =	sshra.s32 s7, $0x2;
	[sflag:s25] =	ssyncset.done $0x0  }
0x61: {  	s8 =	sadd.s32 $0x26C0, s7;
	[sflag:s25] =	ssyncadd.s32 $0xFFFFFD80  }
0x62: {  	[tilespmem:s20], [sflag:$0x1] =	stream.indirect.gather [hbm4b:s0+s19], $0x80, s8, s19, $0xb8;
	[tilespmem:$0x1F2E0] =	vst v63  }
0x63: {  	_ = 	snop  }
0x64: {  	[tilespmem:s21], [sflag:$0x1] =	stream.indirect.gather [hbm4b:s6+s19], $0x8, s8, s19, $0xb8;
	[tilespmem:$0x1F2E0] =	vst v63  }
0x65: {  	_ =	swait.ge [sflag:s26], $0x2800  }
0x66: {  	[sflag:s26] =	ssyncset.done $0x0  }
0x67: {  	[sflag:s26] =	ssyncadd.s32 $0xFFFFD800  }
0x68: {  	_ =	swait.ge [sflag:s26], $0x280  }
0x69: {  	[sflag:s26] =	ssyncset.done $0x0  }
0x6a: {  	s8 =	sadd.s32 $0x4D80, s7;
	[sflag:s26] =	ssyncadd.s32 $0xFFFFFD80  }
0x6b: {  	[spmem:s3] =	stream.indirect.scatter.add.f32 [tilespmem:s23], [sflag:$0x4], $0x80, s8, s19, $0xb8;
	[tilespmem:$0x1F2E0] =	vst v63  }
0x6c: {  	_ = 	snop  }
0x6d: {  	[spmem:s4] =	stream.indirect.scatter.add.f32 [tilespmem:s24], [sflag:$0x4], $0x8, s8, s19, $0xb8;
	[tilespmem:$0x1F2E0] =	vst v63  }
0x6e: {  	_ =	swait.ge [sflag:s28], $0x2800  }
0x6f: {  	[sflag:s28] =	ssyncset.done $0x0  }
0x70: {  	[sflag:s28] =	ssyncadd.s32 $0xFFFFD800  }
0x71: {  	_ =	swait.ge [sflag:s28], $0x280  }
0x72: {  	[sflag:s28] =	ssyncset.done $0x0  }
0x73: {  	s8 =	sadd.s32 $0x2710, s7;
	[sflag:s28] =	ssyncadd.s32 $0xFFFFFD80  }
0x74: {  	[tilespmem:s23], [sflag:$0x2] =	stream.indirect.gather [hbm4b:s0+s19], $0x80, s8, s19, $0xb8;
	[tilespmem:$0x1F2E0] =	vst v63  }
0x75: {  	_ = 	snop  }
0x76: {  	[tilespmem:s24], [sflag:$0x2] =	stream.indirect.gather [hbm4b:s6+s19], $0x8, s8, s19, $0xb8;
	[tilespmem:$0x1F2E0] =	vst v63  }
0x77: {  	_ =	swait.ge [sflag:s22], $0x2800  }
0x78: {  	[sflag:s22] =	ssyncset.done $0x0  }
.Ltmp0:
0x79: {  	[sflag:s22] =	ssyncadd.s32 $0xFFFFD800;
	(pc) =	sbr.rel @p0 .LBB2_2-.Ltmp0, $4  }
0x7a: {  	_ =	swait.ge [sflag:s22], $0x280  }
0x7b: {  	[sflag:s22] =	ssyncset.done $0x0  }
0x7c: {  	s7 =	sadd.s32 $0x4DD0, s7;
	[sflag:s22] =	ssyncadd.s32 $0xFFFFFD80  }
0x7d: {  	[spmem:s3] =	stream.indirect.scatter.add.f32 [tilespmem:s20], [sflag:$0x3], $0x80, s7, s19, $0xb8;
	[tilespmem:$0x1F2E0] =	vst v63  }
0x7e: {  	[spmem:s4] =	stream.indirect.scatter.add.f32 [tilespmem:s21], [sflag:$0x3], $0x8, s7, s19, $0xb8;
	[tilespmem:$0x1F2E0] =	vst v63  }
0x7f: {  	_ =	swait.ge [sflag:s25], $0x2800  }
0x80: {  	[sflag:s25] =	ssyncset.done $0x0  }
0x81: {  	[sflag:s25] =	ssyncadd.s32 $0xFFFFD800  }
0x82: {  	_ =	swait.ge [sflag:s25], $0x280  }
0x83: {  	[sflag:s25] =	ssyncset.done $0x0  }
0x84: {  	[sflag:s25] =	ssyncadd.s32 $0xFFFFFD80  }
0x85: {  	[tilespmem:s20], [sflag:$0x1] =	stream.indirect.gather [hbm4b:s0+s19], $0x80, s29, s19, $0xb8;
	[tilespmem:$0x1F2E0] =	vst v63  }
0x86: {  	_ = 	snop  }
0x87: {  	[tilespmem:s21], [sflag:$0x1] =	stream.indirect.gather [hbm4b:s6+s19], $0x8, s29, s19, $0xb8;
	[tilespmem:$0x1F2E0] =	vst v63  }
0x88: {  	_ =	swait.ge [sflag:s26], $0x2800  }
0x89: {  	[sflag:s26] =	ssyncset.done $0x0  }
0x8a: {  	[sflag:s26] =	ssyncadd.s32 $0xFFFFD800  }
0x8b: {  	_ =	swait.ge [sflag:s26], $0x280  }
0x8c: {  	[sflag:s26] =	ssyncset.done $0x0  }
0x8d: {  	[sflag:s26] =	ssyncadd.s32 $0xFFFFFD80  }
0x8e: {  	[spmem:s3] =	stream.indirect.scatter.add.f32 [tilespmem:s23], [sflag:$0x4], $0x80, s30, s19, $0xb8;
	[tilespmem:$0x1F2E0] =	vst v63  }
0x8f: {  	_ = 	snop  }
0x90: {  	[spmem:s4] =	stream.indirect.scatter.add.f32 [tilespmem:s24], [sflag:$0x4], $0x8, s30, s19, $0xb8;
	[tilespmem:$0x1F2E0] =	vst v63  }
0x91: {  	_ =	swait.ge [sflag:s28], $0x2800  }
0x92: {  	[sflag:s28] =	ssyncset.done $0x0  }
0x93: {  	[sflag:s28] =	ssyncadd.s32 $0xFFFFD800  }
0x94: {  	_ =	swait.ge [sflag:s28], $0x280  }
0x95: {  	[sflag:s28] =	ssyncset.done $0x0  }
0x96: {  	[sflag:s28] =	ssyncadd.s32 $0xFFFFFD80  }
0x97: {  	_ =	swait.ge [sflag:s22], $0x2800  }
0x98: {  	[sflag:s22] =	ssyncset.done $0x0  }
0x99: {  	[sflag:s22] =	ssyncadd.s32 $0xFFFFD800  }
0x9a: {  	_ =	swait.ge [sflag:s22], $0x280  }
0x9b: {  	[sflag:s22] =	ssyncset.done $0x0  }
0x9c: {  	[sflag:s22] =	ssyncadd.s32 $0xFFFFFD80  }
0x9d: {  	[spmem:s3] =	stream.indirect.scatter.add.f32 [tilespmem:s20], [sflag:$0x3], $0x80, s31, s19, $0xb8;
	[tilespmem:$0x1F2E0] =	vst v63  }
0x9e: {  	_ = 	snop  }
0x9f: {  	[spmem:s4] =	stream.indirect.scatter.add.f32 [tilespmem:s21], [sflag:$0x3], $0x8, s31, s19, $0xb8;
	[tilespmem:$0x1F2E0] =	vst v63  }
0xa0: {  	_ =	swait.ge [sflag:s25], $0x2800  }
0xa1: {  	[sflag:s25] =	ssyncset.done $0x0  }
0xa2: {  	[sflag:s25] =	ssyncadd.s32 $0xFFFFD800  }
0xa3: {  	_ =	swait.ge [sflag:s25], $0x280  }
0xa4: {  	[sflag:s25] =	ssyncset.done $0x0  }
0xa5: {  	[sflag:s25] =	ssyncadd.s32 $0xFFFFFD80  }
0xa6: {  	[bflag:$0x0] =	sbarrier.arrive $0xFFFF  }
0xa7: {  	[hbm:s13], [sflag:s9] =	dma.local [spmem:s15], $0x2780  }
0xa8: {  	s1 =	sadd.s32 $0x1, s1;
	_ =	swait.ge [sflag:s16], $0x2780  }
0xa9: {  	p0 =	sne.s32 s1, s12;
	[sflag:s16] =	ssyncset.done $0x0  }
.Ltmp1:
0xaa: {  	s2 =	simm.s32 $0x10;
	[sflag:s16] =	ssyncadd.s32 $0xFFFFD880;
	(pc) =	sbr.rel @p0 .LBB2_1-.Ltmp1, $4  }
0xab: {  	[hbm:s14@s2], [sflag:s9] =	dma.strided [spmem:s17@s22], $0x278, s22, $0x1   }
0xac: {  	_ =	swait.ge [sflag:s16], $0x278  }
0xad: {  	[sflag:s16] =	ssyncset.done $0x0  }
0xae: {  	[sflag:s16] =	ssyncadd.s32 $0xFFFFFD88  }
0xaf: {  	_ =	sfence.sel $0x180000  }
0xb0: {  	[bflag:$0x0] =	sbarrier.arrive $0xFFFF  }
0xb1: {  	_ =	strace $0x90000047  }
0xb2: {  	s0 =	stileid.u32;
	[bflag:$0x2] =	sbarrier.arrive $0xFFFF  }
0xb3: {  	p0 =	sne.s32 s0, $0x0;
	s0 =	rddreg [dreg:$0x4]  }
0xb4: {  	s0 =	sadd.s32 @!p0 $0x100000, s0  }
0xb5: {  	[sflag:s0] =	ssyncadd.tile.s32 @!p0 $0x1;
	_ =	shalt  }
.Lfunc_end2:
_tile_overlayer_lowered:
.L_overlay_start_2:
0xb6: {  	(tag) =	ssettag $0x2  }
0xb7: {  	s0 =	rddreg [dreg:$0x0];
	s2 =	stileid.u32  }
0xb8: {  	s1 =	rddreg [dreg:$0x1];
	p0 =	sne.s32 s2, $0x0  }
0xb9: {  	s3 =	rddreg [dreg:$0x2];
	[bflag:$0x3] =	sbarrier.arrive $0xFFFF;
	s2 =	simm.s32 @!p0 $0x1C05  }
0xba: {  	[timem:s3], [sflag:s2] =	dma.local @!p0 [hbm:s0], s1  }
0xbb: {  	s0 =	simm.s32 @!p0 $0x5  }
0xbc: {  	_ =	swait.ge @!p0 [sflag:s0], s1  }
0xbd: {  	s1 =	ssub.s32 @!p0 $0x0, s1;
	[sflag:s0] =	ssyncset.done @!p0 $0x0  }
0xbe: {  	[sflag:s0] =	ssyncadd.s32 @!p0 s1  }
0xbf: {  	[bflag:$0x3] =	sbarrier.arrive $0xFFFF  }
0xc0: {  	_ =	shalt  }

</sc_bundles>
